<compile_context>
chip_gen: v7x
topology: tpu7x:2x2x1
jax: 0.10.2.dev20260603
libtpu: 0.0.44.dev20260713+nightly
codegen_flags: <defaults>
</compile_context>

<pallas_src>
import functools

import jax
import jax.numpy as jnp
from jax import lax
from jax.experimental import pallas as pl
from jax.experimental.pallas import tpu as pltpu
from jax.experimental.pallas import tpu_sc as plsc

N = 320000
D = 128
S = 10000
SP = 10240
NC, NS = 2, 16
NW = NC * NS
CHUNK = 128
TOT_CHUNKS = N // CHUNK
ITERS = -(-TOT_CHUNKS // NW)
ITERS_PAD = ITERS + (ITERS % 2)
SEG_PER_TILE = SP // NS


def _sc_body(x_hbm, idx_hbm, zacc_hbm, zcnt_hbm, ones_hbm,
             sums_hbm, cnts_hbm,
             acc_sh, cnt_sh, chunk_v, idx_v, ones_v, cstage_v,
             csem, isem, ssem, tsem):
    c = lax.axis_index("c")
    s = lax.axis_index("s")
    w = c * NS + s

    def start_load(it, b):
        cid = it * NW + w

        @pl.when(cid < TOT_CHUNKS)
        def _():
            pltpu.async_copy(x_hbm.at[cid], chunk_v.at[b], csem.at[b])
            pltpu.async_copy(idx_hbm.at[cid], idx_v.at[b], isem.at[b])

    start_load(1, 1)

    pltpu.sync_copy(zacc_hbm, chunk_v.at[0])
    pltpu.sync_copy(zcnt_hbm, cstage_v)
    for k in range(SEG_PER_TILE // CHUNK):
        off = s * SEG_PER_TILE + k * CHUNK
        pltpu.sync_copy(chunk_v.at[0], acc_sh.at[pl.ds(off, CHUNK)])
    pltpu.sync_copy(cstage_v, cnt_sh.at[pl.ds(s * SEG_PER_TILE, SEG_PER_TILE)])
    pltpu.sync_copy(ones_hbm, ones_v)
    start_load(0, 0)
    plsc.subcore_barrier()

    @pl.loop(0, ITERS_PAD, step=2)
    def _loop(i):
        for b in range(2):
            it = i + b
            cid = it * NW + w

            @pl.when(cid < TOT_CHUNKS)
            def _():
                pltpu.make_async_copy(x_hbm.at[cid], chunk_v.at[b],
                                      csem.at[b]).wait()
                pltpu.make_async_copy(idx_hbm.at[cid], idx_v.at[b],
                                      isem.at[b]).wait()
                rows = pltpu.async_copy(chunk_v.at[b],
                                        acc_sh.at[idx_v.at[b, 0]],
                                        ssem.at[b], add=True)
                cnts = pltpu.async_copy(ones_v, cnt_sh.at[idx_v.at[b, 0]],
                                        tsem.at[b], add=True)
                rows.wait()
                cnts.wait()

            start_load(it + 2, b)

    plsc.subcore_barrier()

    nk = SEG_PER_TILE // CHUNK
    for k in range(nk):
        b = k % 2
        off = s * SEG_PER_TILE + k * CHUNK
        if k >= 2:
            poff = s * SEG_PER_TILE + (k - 2) * CHUNK
            pltpu.make_async_copy(chunk_v.at[b],
                                  sums_hbm.at[c, pl.ds(poff, CHUNK)],
                                  csem.at[b]).wait()
        pltpu.sync_copy(acc_sh.at[pl.ds(off, CHUNK)], chunk_v.at[b])
        pltpu.async_copy(chunk_v.at[b], sums_hbm.at[c, pl.ds(off, CHUNK)],
                         csem.at[b])
    pltpu.sync_copy(cnt_sh.at[pl.ds(s * SEG_PER_TILE, SEG_PER_TILE)], cstage_v)
    pltpu.sync_copy(cstage_v,
                    cnts_hbm.at[c, pl.ds(s * SEG_PER_TILE, SEG_PER_TILE)])
    for k in (nk - 2, nk - 1):
        b = k % 2
        off = s * SEG_PER_TILE + k * CHUNK
        pltpu.make_async_copy(chunk_v.at[b],
                              sums_hbm.at[c, pl.ds(off, CHUNK)],
                              csem.at[b]).wait()


_sc_segment_sum = functools.partial(
    pl.kernel,
    out_type=(
        jax.ShapeDtypeStruct((NC, SP, D), jnp.float32),
        jax.ShapeDtypeStruct((NC, SP), jnp.float32),
    ),
    mesh=plsc.VectorSubcoreMesh(core_axis_name="c", subcore_axis_name="s"),
    scratch_types=[
        pltpu.VMEM_SHARED((SP, D), jnp.float32),
        pltpu.VMEM_SHARED((SP,), jnp.float32),
        pltpu.VMEM((2, CHUNK, D), jnp.float32),
        pltpu.VMEM((2, 1, CHUNK), jnp.int32),
        pltpu.VMEM((CHUNK,), jnp.float32),
        pltpu.VMEM((SEG_PER_TILE,), jnp.float32),
        pltpu.SemaphoreType.DMA((2,)),
        pltpu.SemaphoreType.DMA((2,)),
        pltpu.SemaphoreType.DMA((2,)),
        pltpu.SemaphoreType.DMA((2,)),
    ],
)(_sc_body)


def _tc_body(sums_ref, cnt_ref, w_ref, b_ref, o_ref):
    sums = (sums_ref[0] + sums_ref[1])[:S]
    cnt = (cnt_ref[0] + cnt_ref[1])[:S]
    mean = sums / jnp.maximum(cnt, 1.0)
    out = lax.dot_general(mean, w_ref[...], (((1,), (1,)), ((), ())),
                          preferred_element_type=jnp.float32)
    o_ref[...] = out + jnp.where(cnt > 0.0, b_ref[...], 0.0)


def kernel(x, batch, W, b):
    x3 = x.reshape(TOT_CHUNKS, CHUNK, D)
    batch3 = batch.astype(jnp.int32).reshape(TOT_CHUNKS, 1, CHUNK)
    zacc = jnp.zeros((CHUNK, D), jnp.float32)
    zcnt = jnp.zeros((SEG_PER_TILE,), jnp.float32)
    ones = jnp.ones((CHUNK,), jnp.float32)
    sums_p, cnts_p = _sc_segment_sum(x3, batch3, zacc, zcnt, ones)
    cnts_p = cnts_p.reshape(NC, SP, 1)
    return pl.pallas_call(
        _tc_body,
        out_shape=jax.ShapeDtypeStruct((S, D), jnp.float32),
    )(sums_p, cnts_p, W, b.reshape(1, D))

# --- scband reference (transcript-rebuilt; emitter-appended) ---
"""Pipeline reference for scband-alternate-weave-gather-14602888806816 (READ-ONLY COPY).

The authoritative reference and input builder live on the scoring server;
editing this copy changes nothing except your own understanding.
"""

import jax, jax.numpy as jnp
import numpy as np

NUM_SEGMENTS = 10000

def setup_inputs(seed: int = 0) -> dict:
    key = jax.random.key(seed)
    k1, k2, k3, k4 = jax.random.split(key, 4)
    N, D_IN, D_OUT = 320000, 128, 128
    x = jax.random.normal(k1, (N, D_IN), dtype=jnp.float32)
    batch = jnp.sort(jax.random.randint(k2, (N,), 0, NUM_SEGMENTS, dtype=jnp.int64))
    # nn.Linear params: weight [out, in], bias [out], kaiming-uniform-ish init
    bound = 1.0 / np.sqrt(D_IN)
    W = jax.random.uniform(k3, (D_OUT, D_IN), dtype=jnp.float32, minval=-bound, maxval=bound)
    b = jax.random.uniform(k4, (D_OUT,), dtype=jnp.float32, minval=-bound, maxval=bound)
    return {"x": x, "batch": batch, "W": W, "b": b}

def reference(x, batch, W, b):
    # forward of AlternateWeaveGather: linear then scatter_mean over dim 0
    y = x @ W.T + b  # [N, D_OUT]
    sums = jax.ops.segment_sum(y, batch, num_segments=NUM_SEGMENTS)  # [S, D_OUT]
    counts = jax.ops.segment_sum(jnp.ones((x.shape[0],), dtype=jnp.float32), batch, num_segments=NUM_SEGMENTS)
    counts = jnp.clip(counts, 1.0)  # avoid div-by-zero for empty segments (matches scatter_mean semantics)
    return sums / counts[:, None]

if __name__ == "__main__":
    import jax
    _d = setup_inputs()
    print(jax.jit(kernel)(*tuple(_d.values())))

</pallas_src>

<mosaic_0001>
#map = affine_map<(d0, d1) -> (0, 0, 0)>
#map1 = affine_map<(d0, d1) -> (0, 0)>
#map2 = affine_map<(d0, d1) -> (0)>
module attributes {stable_mosaic.version = 14 : i64} {
  func.func @_sc_body(%arg0: i32, %arg1: i32, %arg2: memref<2500x128x128xf32, #tpu.memory_space<hbm>>, %arg3: memref<2500x1x128xi32, #tpu.memory_space<hbm>>, %arg4: memref<128x128xf32, #tpu.memory_space<hbm>>, %arg5: memref<640xf32, #tpu.memory_space<hbm>>, %arg6: memref<128xf32, #tpu.memory_space<hbm>>, %arg7: memref<2x10240x128xf32, #tpu.memory_space<hbm>>, %arg8: memref<2x10240xf32, #tpu.memory_space<hbm>>, %arg9: memref<10240x128xf32, #tpu.memory_space<vmem_shared>>, %arg10: memref<10240xf32, #tpu.memory_space<vmem_shared>>, %arg11: memref<2x128x128xf32, #tpu.memory_space<vmem>>, %arg12: memref<2x1x128xi32, #tpu.memory_space<vmem>>, %arg13: memref<128xf32, #tpu.memory_space<vmem>>, %arg14: memref<640xf32, #tpu.memory_space<vmem>>, %arg15: memref<2x!tpu.dma_semaphore, #tpu.memory_space<semaphore_mem>>, %arg16: memref<2x!tpu.dma_semaphore, #tpu.memory_space<semaphore_mem>>, %arg17: memref<2x!tpu.dma_semaphore, #tpu.memory_space<semaphore_mem>>, %arg18: memref<2x!tpu.dma_semaphore, #tpu.memory_space<semaphore_mem>>) attributes {dimension_semantics = [#tpu.dimension_semantics<core_parallel>, #tpu.dimension_semantics<subcore_parallel>], iteration_bounds = array<i64: 2, 16>, scalar_prefetch = 0 : i64, scratch_operands = 10 : i64, tpu.core_type = #tpu.core_type<sc_vector_subcore>, window_params = [{transform_indices = #map}, {transform_indices = #map}, {transform_indices = #map1}, {transform_indices = #map2}, {transform_indices = #map2}, {transform_indices = #map}, {transform_indices = #map1}]} {
    %mul3A = arith.constant 16 : i32
    %mul3A_0 = arith.muli %arg0, %mul3A : i32
    %add3A = arith.addi %mul3A_0, %arg1 : i32
    %add3A_1 = arith.constant 32 : i32
    %add3A_2 = arith.addi %add3A_1, %add3A : i32
    %lt3A = arith.constant 2500 : i32
    %lt3A_3 = arith.cmpi slt, %add3A_2, %lt3A : i32
    %convert_element_type3A = arith.extui %lt3A_3 : i1 to i32
    %cond3A = arith.constant 0 : i32
    %cond3A_4 = arith.cmpi ne, %convert_element_type3A, %cond3A : i32
    scf.if %cond3A_4 {
      %dma_start3A_271 = arith.constant 1 : i32
      %dma_start3A_272 = arith.constant 1 : i32
      %dma_start3A_273 = arith.constant 0 : i32
      %dma_start3A_274 = arith.constant 0 : i32
      %dma_start3A_275 = tpu.memref_slice %arg11[%dma_start3A_271, %dma_start3A_273, %dma_start3A_274] : memref<2x128x128xf32, #tpu.memory_space<vmem>> -> memref<1x128x128xf32, #tpu.memory_space<vmem>>
      %dma_start3A_276 = tpu.memref_squeeze %dma_start3A_275 : memref<1x128x128xf32, #tpu.memory_space<vmem>> -> memref<128x128xf32, #tpu.memory_space<vmem>>
      %dma_start3A_277 = arith.constant 0 : i32
      %dma_start3A_278 = arith.constant 0 : i32
      %dma_start3A_279 = tpu.memref_slice %arg2[%add3A_2, %dma_start3A_277, %dma_start3A_278] : memref<2500x128x128xf32, #tpu.memory_space<hbm>> -> memref<1x128x128xf32, #tpu.memory_space<hbm>>
      %dma_start3A_280 = tpu.memref_squeeze %dma_start3A_279 : memref<1x128x128xf32, #tpu.memory_space<hbm>> -> memref<128x128xf32, #tpu.memory_space<hbm>>
      %dma_start3A_281 = tpu.memref_slice %arg15[%dma_start3A_272] : memref<2x!tpu.dma_semaphore, #tpu.memory_space<semaphore_mem>> -> memref<1x!tpu.dma_semaphore, #tpu.memory_space<semaphore_mem>>
      %dma_start3A_282 = tpu.memref_squeeze %dma_start3A_281 : memref<1x!tpu.dma_semaphore, #tpu.memory_space<semaphore_mem>> -> memref<!tpu.dma_semaphore, #tpu.memory_space<semaphore_mem>>
      %dma_start3A_283 = arith.constant 0 : i32
      %dma_start3A_284 = arith.constant 0 : i32
      %dma_start3A_285 = tpu.memref_slice %arg11[%dma_start3A_271, %dma_start3A_283, %dma_start3A_284] : memref<2x128x128xf32, #tpu.memory_space<vmem>> -> memref<1x128x128xf32, #tpu.memory_space<vmem>>
      %dma_start3A_286 = tpu.memref_squeeze %dma_start3A_285 : memref<1x128x128xf32, #tpu.memory_space<vmem>> -> memref<128x128xf32, #tpu.memory_space<vmem>>
      %dma_start3A_287 = arith.constant 0 : i32
      %dma_start3A_288 = arith.constant 0 : i32
      %dma_start3A_289 = tpu.memref_slice %arg2[%add3A_2, %dma_start3A_287, %dma_start3A_288] : memref<2500x128x128xf32, #tpu.memory_space<hbm>> -> memref<1x128x128xf32, #tpu.memory_space<hbm>>
      %dma_start3A_290 = tpu.memref_squeeze %dma_start3A_289 : memref<1x128x128xf32, #tpu.memory_space<hbm>> -> memref<128x128xf32, #tpu.memory_space<hbm>>
      tpu.enqueue_dma source(%dma_start3A_290 : memref<128x128xf32, #tpu.memory_space<hbm>>) target(%dma_start3A_286 : memref<128x128xf32, #tpu.memory_space<vmem>>) target_semaphore(%dma_start3A_282 : memref<!tpu.dma_semaphore, #tpu.memory_space<semaphore_mem>>)
      %dma_start3A_291 = arith.constant 1 : i32
      %dma_start3A_292 = arith.constant 1 : i32
      %dma_start3A_293 = arith.constant 0 : i32
      %dma_start3A_294 = arith.constant 0 : i32
      %dma_start3A_295 = tpu.memref_slice %arg12[%dma_start3A_291, %dma_start3A_293, %dma_start3A_294] : memref<2x1x128xi32, #tpu.memory_space<vmem>> -> memref<1x1x128xi32, #tpu.memory_space<vmem>>
      %dma_start3A_296 = tpu.memref_squeeze %dma_start3A_295 : memref<1x1x128xi32, #tpu.memory_space<vmem>> -> memref<1x128xi32, #tpu.memory_space<vmem>>
      %dma_start3A_297 = arith.constant 0 : i32
      %dma_start3A_298 = arith.constant 0 : i32
      %dma_start3A_299 = tpu.memref_slice %arg3[%add3A_2, %dma_start3A_297, %dma_start3A_298] : memref<2500x1x128xi32, #tpu.memory_space<hbm>> -> memref<1x1x128xi32, #tpu.memory_space<hbm>>
      %dma_start3A_300 = tpu.memref_squeeze %dma_start3A_299 : memref<1x1x128xi32, #tpu.memory_space<hbm>> -> memref<1x128xi32, #tpu.memory_space<hbm>>
      %dma_start3A_301 = tpu.memref_slice %arg16[%dma_start3A_292] : memref<2x!tpu.dma_semaphore, #tpu.memory_space<semaphore_mem>> -> memref<1x!tpu.dma_semaphore, #tpu.memory_space<semaphore_mem>>
      %dma_start3A_302 = tpu.memref_squeeze %dma_start3A_301 : memref<1x!tpu.dma_semaphore, #tpu.memory_space<semaphore_mem>> -> memref<!tpu.dma_semaphore, #tpu.memory_space<semaphore_mem>>
      %dma_start3A_303 = arith.constant 0 : i32
      %dma_start3A_304 = arith.constant 0 : i32
      %dma_start3A_305 = tpu.memref_slice %arg12[%dma_start3A_291, %dma_start3A_303, %dma_start3A_304] : memref<2x1x128xi32, #tpu.memory_space<vmem>> -> memref<1x1x128xi32, #tpu.memory_space<vmem>>
      %dma_start3A_306 = tpu.memref_squeeze %dma_start3A_305 : memref<1x1x128xi32, #tpu.memory_space<vmem>> -> memref<1x128xi32, #tpu.memory_space<vmem>>
      %dma_start3A_307 = arith.constant 0 : i32
      %dma_start3A_308 = arith.constant 0 : i32
      %dma_start3A_309 = tpu.memref_slice %arg3[%add3A_2, %dma_start3A_307, %dma_start3A_308] : memref<2500x1x128xi32, #tpu.memory_space<hbm>> -> memref<1x1x128xi32, #tpu.memory_space<hbm>>
      %dma_start3A_310 = tpu.memref_squeeze %dma_start3A_309 : memref<1x1x128xi32, #tpu.memory_space<hbm>> -> memref<1x128xi32, #tpu.memory_space<hbm>>
      tpu.enqueue_dma source(%dma_start3A_310 : memref<1x128xi32, #tpu.memory_space<hbm>>) target(%dma_start3A_306 : memref<1x128xi32, #tpu.memory_space<vmem>>) target_semaphore(%dma_start3A_302 : memref<!tpu.dma_semaphore, #tpu.memory_space<semaphore_mem>>)
    } else {
    }
    %run_scoped3A = arith.constant 0 : i32
    "tpu.region"() ({
      %run_scoped3A_271 = tpu.sem_alloc : memref<!tpu.dma_semaphore, #tpu.memory_space<semaphore_mem>>
      %dma_start3A_272 = arith.constant 0 : i32
      %dma_start3A_273 = arith.constant 0 : i32
      %dma_start3A_274 = tpu.memref_slice %arg11[%run_scoped3A, %dma_start3A_272, %dma_start3A_273] : memref<2x128x128xf32, #tpu.memory_space<vmem>> -> memref<1x128x128xf32, #tpu.memory_space<vmem>>
      %dma_start3A_275 = tpu.memref_squeeze %dma_start3A_274 : memref<1x128x128xf32, #tpu.memory_space<vmem>> -> memref<128x128xf32, #tpu.memory_space<vmem>>
      %dma_start3A_276 = arith.constant 0 : i32
      %dma_start3A_277 = arith.constant 0 : i32
      %dma_start3A_278 = tpu.memref_slice %arg11[%run_scoped3A, %dma_start3A_276, %dma_start3A_277] : memref<2x128x128xf32, #tpu.memory_space<vmem>> -> memref<1x128x128xf32, #tpu.memory_space<vmem>>
      %dma_start3A_279 = tpu.memref_squeeze %dma_start3A_278 : memref<1x128x128xf32, #tpu.memory_space<vmem>> -> memref<128x128xf32, #tpu.memory_space<vmem>>
      tpu.enqueue_dma source(%arg4 : memref<128x128xf32, #tpu.memory_space<hbm>>) target(%dma_start3A_279 : memref<128x128xf32, #tpu.memory_space<vmem>>) target_semaphore(%run_scoped3A_271 : memref<!tpu.dma_semaphore, #tpu.memory_space<semaphore_mem>>)
      %dma_wait3A_280 = arith.constant 0 : i32
      %dma_wait3A_281 = arith.constant 0 : i32
      %dma_wait3A_282 = tpu.memref_slice %arg11[%run_scoped3A, %dma_wait3A_280, %dma_wait3A_281] : memref<2x128x128xf32, #tpu.memory_space<vmem>> -> memref<1x128x128xf32, #tpu.memory_space<vmem>>
      %dma_wait3A_283 = tpu.memref_squeeze %dma_wait3A_282 : memref<1x128x128xf32, #tpu.memory_space<vmem>> -> memref<128x128xf32, #tpu.memory_space<vmem>>
      %dma_wait3A_284 = arith.constant 0 : i32
      %dma_wait3A_285 = arith.constant 0 : i32
      %dma_wait3A_286 = tpu.memref_slice %arg11[%run_scoped3A, %dma_wait3A_284, %dma_wait3A_285] : memref<2x128x128xf32, #tpu.memory_space<vmem>> -> memref<1x128x128xf32, #tpu.memory_space<vmem>>
      %dma_wait3A_287 = tpu.memref_squeeze %dma_wait3A_286 : memref<1x128x128xf32, #tpu.memory_space<vmem>> -> memref<128x128xf32, #tpu.memory_space<vmem>>
      tpu.wait_dma2 semaphore(%run_scoped3A_271 : memref<!tpu.dma_semaphore, #tpu.memory_space<semaphore_mem>>) src(%arg4 : memref<128x128xf32, #tpu.memory_space<hbm>>) dst(%dma_wait3A_287 : memref<128x128xf32, #tpu.memory_space<vmem>>)
      tpu.yield
    }) : () -> ()
    "tpu.region"() ({
      %run_scoped3A_271 = tpu.sem_alloc : memref<!tpu.dma_semaphore, #tpu.memory_space<semaphore_mem>>
      tpu.enqueue_dma source(%arg5 : memref<640xf32, #tpu.memory_space<hbm>>) target(%arg14 : memref<640xf32, #tpu.memory_space<vmem>>) target_semaphore(%run_scoped3A_271 : memref<!tpu.dma_semaphore, #tpu.memory_space<semaphore_mem>>)
      tpu.wait_dma2 semaphore(%run_scoped3A_271 : memref<!tpu.dma_semaphore, #tpu.memory_space<semaphore_mem>>) src(%arg5 : memref<640xf32, #tpu.memory_space<hbm>>) dst(%arg14 : memref<640xf32, #tpu.memory_space<vmem>>)
      tpu.yield
    }) : () -> ()
    %mul3A_5 = arith.constant 640 : i32
    %mul3A_6 = arith.muli %arg1, %mul3A_5 : i32
    %add3A_7 = arith.constant 0 : i32
    %add3A_8 = arith.addi %mul3A_6, %add3A_7 : i32
    %run_scoped3A_9 = arith.constant 0 : i32
    "tpu.region"() ({
      %run_scoped3A_271 = tpu.sem_alloc : memref<!tpu.dma_semaphore, #tpu.memory_space<semaphore_mem>>
      %dma_start3A_272 = arith.constant 0 : i32
      %dma_start3A_273 = arith.constant 0 : i32
      %dma_start3A_274 = tpu.memref_slice %arg11[%run_scoped3A_9, %dma_start3A_272, %dma_start3A_273] : memref<2x128x128xf32, #tpu.memory_space<vmem>> -> memref<1x128x128xf32, #tpu.memory_space<vmem>>
      %dma_start3A_275 = tpu.memref_squeeze %dma_start3A_274 : memref<1x128x128xf32, #tpu.memory_space<vmem>> -> memref<128x128xf32, #tpu.memory_space<vmem>>
      %dma_start3A_276 = arith.constant 0 : i32
      %dma_start3A_277 = tpu.memref_slice %arg9[%add3A_8, %dma_start3A_276] : memref<10240x128xf32, #tpu.memory_space<vmem_shared>> -> memref<128x128xf32, #tpu.memory_space<vmem_shared>>
      %dma_start3A_278 = arith.constant 0 : i32
      %dma_start3A_279 = tpu.memref_slice %arg9[%add3A_8, %dma_start3A_278] : memref<10240x128xf32, #tpu.memory_space<vmem_shared>> -> memref<128x128xf32, #tpu.memory_space<vmem_shared>>
      %dma_start3A_280 = arith.constant 0 : i32
      %dma_start3A_281 = arith.constant 0 : i32
      %dma_start3A_282 = tpu.memref_slice %arg11[%run_scoped3A_9, %dma_start3A_280, %dma_start3A_281] : memref<2x128x128xf32, #tpu.memory_space<vmem>> -> memref<1x128x128xf32, #tpu.memory_space<vmem>>
      %dma_start3A_283 = tpu.memref_squeeze %dma_start3A_282 : memref<1x128x128xf32, #tpu.memory_space<vmem>> -> memref<128x128xf32, #tpu.memory_space<vmem>>
      tpu.enqueue_dma source(%dma_start3A_283 : memref<128x128xf32, #tpu.memory_space<vmem>>) target(%dma_start3A_279 : memref<128x128xf32, #tpu.memory_space<vmem_shared>>) target_semaphore(%run_scoped3A_271 : memref<!tpu.dma_semaphore, #tpu.memory_space<semaphore_mem>>)
      %dma_wait3A_284 = arith.constant 0 : i32
      %dma_wait3A_285 = arith.constant 0 : i32
      %dma_wait3A_286 = tpu.memref_slice %arg11[%run_scoped3A_9, %dma_wait3A_284, %dma_wait3A_285] : memref<2x128x128xf32, #tpu.memory_space<vmem>> -> memref<1x128x128xf32, #tpu.memory_space<vmem>>
      %dma_wait3A_287 = tpu.memref_squeeze %dma_wait3A_286 : memref<1x128x128xf32, #tpu.memory_space<vmem>> -> memref<128x128xf32, #tpu.memory_space<vmem>>
      %dma_wait3A_288 = arith.constant 0 : i32
      %dma_wait3A_289 = tpu.memref_slice %arg9[%add3A_8, %dma_wait3A_288] : memref<10240x128xf32, #tpu.memory_space<vmem_shared>> -> memref<128x128xf32, #tpu.memory_space<vmem_shared>>
      %dma_wait3A_290 = arith.constant 0 : i32
      %dma_wait3A_291 = tpu.memref_slice %arg9[%add3A_8, %dma_wait3A_290] : memref<10240x128xf32, #tpu.memory_space<vmem_shared>> -> memref<128x128xf32, #tpu.memory_space<vmem_shared>>
      %dma_wait3A_292 = arith.constant 0 : i32
      %dma_wait3A_293 = arith.constant 0 : i32
      %dma_wait3A_294 = tpu.memref_slice %arg11[%run_scoped3A_9, %dma_wait3A_292, %dma_wait3A_293] : memref<2x128x128xf32, #tpu.memory_space<vmem>> -> memref<1x128x128xf32, #tpu.memory_space<vmem>>
      %dma_wait3A_295 = tpu.memref_squeeze %dma_wait3A_294 : memref<1x128x128xf32, #tpu.memory_space<vmem>> -> memref<128x128xf32, #tpu.memory_space<vmem>>
      tpu.wait_dma2 semaphore(%run_scoped3A_271 : memref<!tpu.dma_semaphore, #tpu.memory_space<semaphore_mem>>) src(%dma_wait3A_295 : memref<128x128xf32, #tpu.memory_space<vmem>>) dst(%dma_wait3A_291 : memref<128x128xf32, #tpu.memory_space<vmem_shared>>)
      tpu.yield
    }) : () -> ()
    %mul3A_10 = arith.constant 640 : i32
    %mul3A_11 = arith.muli %arg1, %mul3A_10 : i32
    %add3A_12 = arith.constant 128 : i32
    %add3A_13 = arith.addi %mul3A_11, %add3A_12 : i32
    %run_scoped3A_14 = arith.constant 0 : i32
    "tpu.region"() ({
      %run_scoped3A_271 = tpu.sem_alloc : memref<!tpu.dma_semaphore, #tpu.memory_space<semaphore_mem>>
      %dma_start3A_272 = arith.constant 0 : i32
      %dma_start3A_273 = arith.constant 0 : i32
      %dma_start3A_274 = tpu.memref_slice %arg11[%run_scoped3A_14, %dma_start3A_272, %dma_start3A_273] : memref<2x128x128xf32, #tpu.memory_space<vmem>> -> memref<1x128x128xf32, #tpu.memory_space<vmem>>
      %dma_start3A_275 = tpu.memref_squeeze %dma_start3A_274 : memref<1x128x128xf32, #tpu.memory_space<vmem>> -> memref<128x128xf32, #tpu.memory_space<vmem>>
      %dma_start3A_276 = arith.constant 0 : i32
      %dma_start3A_277 = tpu.memref_slice %arg9[%add3A_13, %dma_start3A_276] : memref<10240x128xf32, #tpu.memory_space<vmem_shared>> -> memref<128x128xf32, #tpu.memory_space<vmem_shared>>
      %dma_start3A_278 = arith.constant 0 : i32
      %dma_start3A_279 = tpu.memref_slice %arg9[%add3A_13, %dma_start3A_278] : memref<10240x128xf32, #tpu.memory_space<vmem_shared>> -> memref<128x128xf32, #tpu.memory_space<vmem_shared>>
      %dma_start3A_280 = arith.constant 0 : i32
      %dma_start3A_281 = arith.constant 0 : i32
      %dma_start3A_282 = tpu.memref_slice %arg11[%run_scoped3A_14, %dma_start3A_280, %dma_start3A_281] : memref<2x128x128xf32, #tpu.memory_space<vmem>> -> memref<1x128x128xf32, #tpu.memory_space<vmem>>
      %dma_start3A_283 = tpu.memref_squeeze %dma_start3A_282 : memref<1x128x128xf32, #tpu.memory_space<vmem>> -> memref<128x128xf32, #tpu.memory_space<vmem>>
      tpu.enqueue_dma source(%dma_start3A_283 : memref<128x128xf32, #tpu.memory_space<vmem>>) target(%dma_start3A_279 : memref<128x128xf32, #tpu.memory_space<vmem_shared>>) target_semaphore(%run_scoped3A_271 : memref<!tpu.dma_semaphore, #tpu.memory_space<semaphore_mem>>)
      %dma_wait3A_284 = arith.constant 0 : i32
      %dma_wait3A_285 = arith.constant 0 : i32
      %dma_wait3A_286 = tpu.memref_slice %arg11[%run_scoped3A_14, %dma_wait3A_284, %dma_wait3A_285] : memref<2x128x128xf32, #tpu.memory_space<vmem>> -> memref<1x128x128xf32, #tpu.memory_space<vmem>>
      %dma_wait3A_287 = tpu.memref_squeeze %dma_wait3A_286 : memref<1x128x128xf32, #tpu.memory_space<vmem>> -> memref<128x128xf32, #tpu.memory_space<vmem>>
      %dma_wait3A_288 = arith.constant 0 : i32
      %dma_wait3A_289 = tpu.memref_slice %arg9[%add3A_13, %dma_wait3A_288] : memref<10240x128xf32, #tpu.memory_space<vmem_shared>> -> memref<128x128xf32, #tpu.memory_space<vmem_shared>>
      %dma_wait3A_290 = arith.constant 0 : i32
      %dma_wait3A_291 = tpu.memref_slice %arg9[%add3A_13, %dma_wait3A_290] : memref<10240x128xf32, #tpu.memory_space<vmem_shared>> -> memref<128x128xf32, #tpu.memory_space<vmem_shared>>
      %dma_wait3A_292 = arith.constant 0 : i32
      %dma_wait3A_293 = arith.constant 0 : i32
      %dma_wait3A_294 = tpu.memref_slice %arg11[%run_scoped3A_14, %dma_wait3A_292, %dma_wait3A_293] : memref<2x128x128xf32, #tpu.memory_space<vmem>> -> memref<1x128x128xf32, #tpu.memory_space<vmem>>
      %dma_wait3A_295 = tpu.memref_squeeze %dma_wait3A_294 : memref<1x128x128xf32, #tpu.memory_space<vmem>> -> memref<128x128xf32, #tpu.memory_space<vmem>>
      tpu.wait_dma2 semaphore(%run_scoped3A_271 : memref<!tpu.dma_semaphore, #tpu.memory_space<semaphore_mem>>) src(%dma_wait3A_295 : memref<128x128xf32, #tpu.memory_space<vmem>>) dst(%dma_wait3A_291 : memref<128x128xf32, #tpu.memory_space<vmem_shared>>)
      tpu.yield
    }) : () -> ()
    %mul3A_15 = arith.constant 640 : i32
    %mul3A_16 = arith.muli %arg1, %mul3A_15 : i32
    %add3A_17 = arith.constant 256 : i32
    %add3A_18 = arith.addi %mul3A_16, %add3A_17 : i32
    %run_scoped3A_19 = arith.constant 0 : i32
    "tpu.region"() ({
      %run_scoped3A_271 = tpu.sem_alloc : memref<!tpu.dma_semaphore, #tpu.memory_space<semaphore_mem>>
      %dma_start3A_272 = arith.constant 0 : i32
      %dma_start3A_273 = arith.constant 0 : i32
      %dma_start3A_274 = tpu.memref_slice %arg11[%run_scoped3A_19, %dma_start3A_272, %dma_start3A_273] : memref<2x128x128xf32, #tpu.memory_space<vmem>> -> memref<1x128x128xf32, #tpu.memory_space<vmem>>
      %dma_start3A_275 = tpu.memref_squeeze %dma_start3A_274 : memref<1x128x128xf32, #tpu.memory_space<vmem>> -> memref<128x128xf32, #tpu.memory_space<vmem>>
      %dma_start3A_276 = arith.constant 0 : i32
      %dma_start3A_277 = tpu.memref_slice %arg9[%add3A_18, %dma_start3A_276] : memref<10240x128xf32, #tpu.memory_space<vmem_shared>> -> memref<128x128xf32, #tpu.memory_space<vmem_shared>>
      %dma_start3A_278 = arith.constant 0 : i32
      %dma_start3A_279 = tpu.memref_slice %arg9[%add3A_18, %dma_start3A_278] : memref<10240x128xf32, #tpu.memory_space<vmem_shared>> -> memref<128x128xf32, #tpu.memory_space<vmem_shared>>
      %dma_start3A_280 = arith.constant 0 : i32
      %dma_start3A_281 = arith.constant 0 : i32
      %dma_start3A_282 = tpu.memref_slice %arg11[%run_scoped3A_19, %dma_start3A_280, %dma_start3A_281] : memref<2x128x128xf32, #tpu.memory_space<vmem>> -> memref<1x128x128xf32, #tpu.memory_space<vmem>>
      %dma_start3A_283 = tpu.memref_squeeze %dma_start3A_282 : memref<1x128x128xf32, #tpu.memory_space<vmem>> -> memref<128x128xf32, #tpu.memory_space<vmem>>
      tpu.enqueue_dma source(%dma_start3A_283 : memref<128x128xf32, #tpu.memory_space<vmem>>) target(%dma_start3A_279 : memref<128x128xf32, #tpu.memory_space<vmem_shared>>) target_semaphore(%run_scoped3A_271 : memref<!tpu.dma_semaphore, #tpu.memory_space<semaphore_mem>>)
      %dma_wait3A_284 = arith.constant 0 : i32
      %dma_wait3A_285 = arith.constant 0 : i32
      %dma_wait3A_286 = tpu.memref_slice %arg11[%run_scoped3A_19, %dma_wait3A_284, %dma_wait3A_285] : memref<2x128x128xf32, #tpu.memory_space<vmem>> -> memref<1x128x128xf32, #tpu.memory_space<vmem>>
      %dma_wait3A_287 = tpu.memref_squeeze %dma_wait3A_286 : memref<1x128x128xf32, #tpu.memory_space<vmem>> -> memref<128x128xf32, #tpu.memory_space<vmem>>
      %dma_wait3A_288 = arith.constant 0 : i32
      %dma_wait3A_289 = tpu.memref_slice %arg9[%add3A_18, %dma_wait3A_288] : memref<10240x128xf32, #tpu.memory_space<vmem_shared>> -> memref<128x128xf32, #tpu.memory_space<vmem_shared>>
      %dma_wait3A_290 = arith.constant 0 : i32
      %dma_wait3A_291 = tpu.memref_slice %arg9[%add3A_18, %dma_wait3A_290] : memref<10240x128xf32, #tpu.memory_space<vmem_shared>> -> memref<128x128xf32, #tpu.memory_space<vmem_shared>>
      %dma_wait3A_292 = arith.constant 0 : i32
      %dma_wait3A_293 = arith.constant 0 : i32
      %dma_wait3A_294 = tpu.memref_slice %arg11[%run_scoped3A_19, %dma_wait3A_292, %dma_wait3A_293] : memref<2x128x128xf32, #tpu.memory_space<vmem>> -> memref<1x128x128xf32, #tpu.memory_space<vmem>>
      %dma_wait3A_295 = tpu.memref_squeeze %dma_wait3A_294 : memref<1x128x128xf32, #tpu.memory_space<vmem>> -> memref<128x128xf32, #tpu.memory_space<vmem>>
      tpu.wait_dma2 semaphore(%run_scoped3A_271 : memref<!tpu.dma_semaphore, #tpu.memory_space<semaphore_mem>>) src(%dma_wait3A_295 : memref<128x128xf32, #tpu.memory_space<vmem>>) dst(%dma_wait3A_291 : memref<128x128xf32, #tpu.memory_space<vmem_shared>>)
      tpu.yield
    }) : () -> ()
    %mul3A_20 = arith.constant 640 : i32
    %mul3A_21 = arith.muli %arg1, %mul3A_20 : i32
    %add3A_22 = arith.constant 384 : i32
    %add3A_23 = arith.addi %mul3A_21, %add3A_22 : i32
    %run_scoped3A_24 = arith.constant 0 : i32
    "tpu.region"() ({
      %run_scoped3A_271 = tpu.sem_alloc : memref<!tpu.dma_semaphore, #tpu.memory_space<semaphore_mem>>
      %dma_start3A_272 = arith.constant 0 : i32
      %dma_start3A_273 = arith.constant 0 : i32
      %dma_start3A_274 = tpu.memref_slice %arg11[%run_scoped3A_24, %dma_start3A_272, %dma_start3A_273] : memref<2x128x128xf32, #tpu.memory_space<vmem>> -> memref<1x128x128xf32, #tpu.memory_space<vmem>>
      %dma_start3A_275 = tpu.memref_squeeze %dma_start3A_274 : memref<1x128x128xf32, #tpu.memory_space<vmem>> -> memref<128x128xf32, #tpu.memory_space<vmem>>
      %dma_start3A_276 = arith.constant 0 : i32
      %dma_start3A_277 = tpu.memref_slice %arg9[%add3A_23, %dma_start3A_276] : memref<10240x128xf32, #tpu.memory_space<vmem_shared>> -> memref<128x128xf32, #tpu.memory_space<vmem_shared>>
      %dma_start3A_278 = arith.constant 0 : i32
      %dma_start3A_279 = tpu.memref_slice %arg9[%add3A_23, %dma_start3A_278] : memref<10240x128xf32, #tpu.memory_space<vmem_shared>> -> memref<128x128xf32, #tpu.memory_space<vmem_shared>>
      %dma_start3A_280 = arith.constant 0 : i32
      %dma_start3A_281 = arith.constant 0 : i32
      %dma_start3A_282 = tpu.memref_slice %arg11[%run_scoped3A_24, %dma_start3A_280, %dma_start3A_281] : memref<2x128x128xf32, #tpu.memory_space<vmem>> -> memref<1x128x128xf32, #tpu.memory_space<vmem>>
      %dma_start3A_283 = tpu.memref_squeeze %dma_start3A_282 : memref<1x128x128xf32, #tpu.memory_space<vmem>> -> memref<128x128xf32, #tpu.memory_space<vmem>>
      tpu.enqueue_dma source(%dma_start3A_283 : memref<128x128xf32, #tpu.memory_space<vmem>>) target(%dma_start3A_279 : memref<128x128xf32, #tpu.memory_space<vmem_shared>>) target_semaphore(%run_scoped3A_271 : memref<!tpu.dma_semaphore, #tpu.memory_space<semaphore_mem>>)
      %dma_wait3A_284 = arith.constant 0 : i32
      %dma_wait3A_285 = arith.constant 0 : i32
      %dma_wait3A_286 = tpu.memref_slice %arg11[%run_scoped3A_24, %dma_wait3A_284, %dma_wait3A_285] : memref<2x128x128xf32, #tpu.memory_space<vmem>> -> memref<1x128x128xf32, #tpu.memory_space<vmem>>
      %dma_wait3A_287 = tpu.memref_squeeze %dma_wait3A_286 : memref<1x128x128xf32, #tpu.memory_space<vmem>> -> memref<128x128xf32, #tpu.memory_space<vmem>>
      %dma_wait3A_288 = arith.constant 0 : i32
      %dma_wait3A_289 = tpu.memref_slice %arg9[%add3A_23, %dma_wait3A_288] : memref<10240x128xf32, #tpu.memory_space<vmem_shared>> -> memref<128x128xf32, #tpu.memory_space<vmem_shared>>
      %dma_wait3A_290 = arith.constant 0 : i32
      %dma_wait3A_291 = tpu.memref_slice %arg9[%add3A_23, %dma_wait3A_290] : memref<10240x128xf32, #tpu.memory_space<vmem_shared>> -> memref<128x128xf32, #tpu.memory_space<vmem_shared>>
      %dma_wait3A_292 = arith.constant 0 : i32
      %dma_wait3A_293 = arith.constant 0 : i32
      %dma_wait3A_294 = tpu.memref_slice %arg11[%run_scoped3A_24, %dma_wait3A_292, %dma_wait3A_293] : memref<2x128x128xf32, #tpu.memory_space<vmem>> -> memref<1x128x128xf32, #tpu.memory_space<vmem>>
      %dma_wait3A_295 = tpu.memref_squeeze %dma_wait3A_294 : memref<1x128x128xf32, #tpu.memory_space<vmem>> -> memref<128x128xf32, #tpu.memory_space<vmem>>
      tpu.wait_dma2 semaphore(%run_scoped3A_271 : memref<!tpu.dma_semaphore, #tpu.memory_space<semaphore_mem>>) src(%dma_wait3A_295 : memref<128x128xf32, #tpu.memory_space<vmem>>) dst(%dma_wait3A_291 : memref<128x128xf32, #tpu.memory_space<vmem_shared>>)
      tpu.yield
    }) : () -> ()
    %mul3A_25 = arith.constant 640 : i32
    %mul3A_26 = arith.muli %arg1, %mul3A_25 : i32
    %add3A_27 = arith.constant 512 : i32
    %add3A_28 = arith.addi %mul3A_26, %add3A_27 : i32
    %run_scoped3A_29 = arith.constant 0 : i32
    "tpu.region"() ({
      %run_scoped3A_271 = tpu.sem_alloc : memref<!tpu.dma_semaphore, #tpu.memory_space<semaphore_mem>>
      %dma_start3A_272 = arith.constant 0 : i32
      %dma_start3A_273 = arith.constant 0 : i32
      %dma_start3A_274 = tpu.memref_slice %arg11[%run_scoped3A_29, %dma_start3A_272, %dma_start3A_273] : memref<2x128x128xf32, #tpu.memory_space<vmem>> -> memref<1x128x128xf32, #tpu.memory_space<vmem>>
      %dma_start3A_275 = tpu.memref_squeeze %dma_start3A_274 : memref<1x128x128xf32, #tpu.memory_space<vmem>> -> memref<128x128xf32, #tpu.memory_space<vmem>>
      %dma_start3A_276 = arith.constant 0 : i32
      %dma_start3A_277 = tpu.memref_slice %arg9[%add3A_28, %dma_start3A_276] : memref<10240x128xf32, #tpu.memory_space<vmem_shared>> -> memref<128x128xf32, #tpu.memory_space<vmem_shared>>
      %dma_start3A_278 = arith.constant 0 : i32
      %dma_start3A_279 = tpu.memref_slice %arg9[%add3A_28, %dma_start3A_278] : memref<10240x128xf32, #tpu.memory_space<vmem_shared>> -> memref<128x128xf32, #tpu.memory_space<vmem_shared>>
      %dma_start3A_280 = arith.constant 0 : i32
      %dma_start3A_281 = arith.constant 0 : i32
      %dma_start3A_282 = tpu.memref_slice %arg11[%run_scoped3A_29, %dma_start3A_280, %dma_start3A_281] : memref<2x128x128xf32, #tpu.memory_space<vmem>> -> memref<1x128x128xf32, #tpu.memory_space<vmem>>
      %dma_start3A_283 = tpu.memref_squeeze %dma_start3A_282 : memref<1x128x128xf32, #tpu.memory_space<vmem>> -> memref<128x128xf32, #tpu.memory_space<vmem>>
      tpu.enqueue_dma source(%dma_start3A_283 : memref<128x128xf32, #tpu.memory_space<vmem>>) target(%dma_start3A_279 : memref<128x128xf32, #tpu.memory_space<vmem_shared>>) target_semaphore(%run_scoped3A_271 : memref<!tpu.dma_semaphore, #tpu.memory_space<semaphore_mem>>)
      %dma_wait3A_284 = arith.constant 0 : i32
      %dma_wait3A_285 = arith.constant 0 : i32
      %dma_wait3A_286 = tpu.memref_slice %arg11[%run_scoped3A_29, %dma_wait3A_284, %dma_wait3A_285] : memref<2x128x128xf32, #tpu.memory_space<vmem>> -> memref<1x128x128xf32, #tpu.memory_space<vmem>>
      %dma_wait3A_287 = tpu.memref_squeeze %dma_wait3A_286 : memref<1x128x128xf32, #tpu.memory_space<vmem>> -> memref<128x128xf32, #tpu.memory_space<vmem>>
      %dma_wait3A_288 = arith.constant 0 : i32
      %dma_wait3A_289 = tpu.memref_slice %arg9[%add3A_28, %dma_wait3A_288] : memref<10240x128xf32, #tpu.memory_space<vmem_shared>> -> memref<128x128xf32, #tpu.memory_space<vmem_shared>>
      %dma_wait3A_290 = arith.constant 0 : i32
      %dma_wait3A_291 = tpu.memref_slice %arg9[%add3A_28, %dma_wait3A_290] : memref<10240x128xf32, #tpu.memory_space<vmem_shared>> -> memref<128x128xf32, #tpu.memory_space<vmem_shared>>
      %dma_wait3A_292 = arith.constant 0 : i32
      %dma_wait3A_293 = arith.constant 0 : i32
      %dma_wait3A_294 = tpu.memref_slice %arg11[%run_scoped3A_29, %dma_wait3A_292, %dma_wait3A_293] : memref<2x128x128xf32, #tpu.memory_space<vmem>> -> memref<1x128x128xf32, #tpu.memory_space<vmem>>
      %dma_wait3A_295 = tpu.memref_squeeze %dma_wait3A_294 : memref<1x128x128xf32, #tpu.memory_space<vmem>> -> memref<128x128xf32, #tpu.memory_space<vmem>>
      tpu.wait_dma2 semaphore(%run_scoped3A_271 : memref<!tpu.dma_semaphore, #tpu.memory_space<semaphore_mem>>) src(%dma_wait3A_295 : memref<128x128xf32, #tpu.memory_space<vmem>>) dst(%dma_wait3A_291 : memref<128x128xf32, #tpu.memory_space<vmem_shared>>)
      tpu.yield
    }) : () -> ()
    %mul3A_30 = arith.constant 640 : i32
    %mul3A_31 = arith.muli %arg1, %mul3A_30 : i32
    "tpu.region"() ({
      %run_scoped3A_271 = tpu.sem_alloc : memref<!tpu.dma_semaphore, #tpu.memory_space<semaphore_mem>>
      %dma_start3A_272 = tpu.memref_slice %arg10[%mul3A_31] : memref<10240xf32, #tpu.memory_space<vmem_shared>> -> memref<640xf32, #tpu.memory_space<vmem_shared>>
      %dma_start3A_273 = tpu.memref_slice %arg10[%mul3A_31] : memref<10240xf32, #tpu.memory_space<vmem_shared>> -> memref<640xf32, #tpu.memory_space<vmem_shared>>
      tpu.enqueue_dma source(%arg14 : memref<640xf32, #tpu.memory_space<vmem>>) target(%dma_start3A_273 : memref<640xf32, #tpu.memory_space<vmem_shared>>) target_semaphore(%run_scoped3A_271 : memref<!tpu.dma_semaphore, #tpu.memory_space<semaphore_mem>>)
      %dma_wait3A_274 = tpu.memref_slice %arg10[%mul3A_31] : memref<10240xf32, #tpu.memory_space<vmem_shared>> -> memref<640xf32, #tpu.memory_space<vmem_shared>>
      %dma_wait3A_275 = tpu.memref_slice %arg10[%mul3A_31] : memref<10240xf32, #tpu.memory_space<vmem_shared>> -> memref<640xf32, #tpu.memory_space<vmem_shared>>
      tpu.wait_dma2 semaphore(%run_scoped3A_271 : memref<!tpu.dma_semaphore, #tpu.memory_space<semaphore_mem>>) src(%arg14 : memref<640xf32, #tpu.memory_space<vmem>>) dst(%dma_wait3A_275 : memref<640xf32, #tpu.memory_space<vmem_shared>>)
      tpu.yield
    }) : () -> ()
    "tpu.region"() ({
      %run_scoped3A_271 = tpu.sem_alloc : memref<!tpu.dma_semaphore, #tpu.memory_space<semaphore_mem>>
      tpu.enqueue_dma source(%arg6 : memref<128xf32, #tpu.memory_space<hbm>>) target(%arg13 : memref<128xf32, #tpu.memory_space<vmem>>) target_semaphore(%run_scoped3A_271 : memref<!tpu.dma_semaphore, #tpu.memory_space<semaphore_mem>>)
      tpu.wait_dma2 semaphore(%run_scoped3A_271 : memref<!tpu.dma_semaphore, #tpu.memory_space<semaphore_mem>>) src(%arg6 : memref<128xf32, #tpu.memory_space<hbm>>) dst(%arg13 : memref<128xf32, #tpu.memory_space<vmem>>)
      tpu.yield
    }) : () -> ()
    %add3A_32 = arith.constant 0 : i32
    %add3A_33 = arith.addi %add3A_32, %add3A : i32
    %lt3A_34 = arith.constant 2500 : i32
    %lt3A_35 = arith.cmpi slt, %add3A_33, %lt3A_34 : i32
    %convert_element_type3A_36 = arith.extui %lt3A_35 : i1 to i32
    %cond3A_37 = arith.constant 0 : i32
    %cond3A_38 = arith.cmpi ne, %convert_element_type3A_36, %cond3A_37 : i32
    scf.if %cond3A_38 {
      %dma_start3A_271 = arith.constant 0 : i32
      %dma_start3A_272 = arith.constant 0 : i32
      %dma_start3A_273 = arith.constant 0 : i32
      %dma_start3A_274 = arith.constant 0 : i32
      %dma_start3A_275 = tpu.memref_slice %arg11[%dma_start3A_271, %dma_start3A_273, %dma_start3A_274] : memref<2x128x128xf32, #tpu.memory_space<vmem>> -> memref<1x128x128xf32, #tpu.memory_space<vmem>>
      %dma_start3A_276 = tpu.memref_squeeze %dma_start3A_275 : memref<1x128x128xf32, #tpu.memory_space<vmem>> -> memref<128x128xf32, #tpu.memory_space<vmem>>
      %dma_start3A_277 = arith.constant 0 : i32
      %dma_start3A_278 = arith.constant 0 : i32
      %dma_start3A_279 = tpu.memref_slice %arg2[%add3A_33, %dma_start3A_277, %dma_start3A_278] : memref<2500x128x128xf32, #tpu.memory_space<hbm>> -> memref<1x128x128xf32, #tpu.memory_space<hbm>>
      %dma_start3A_280 = tpu.memref_squeeze %dma_start3A_279 : memref<1x128x128xf32, #tpu.memory_space<hbm>> -> memref<128x128xf32, #tpu.memory_space<hbm>>
      %dma_start3A_281 = tpu.memref_slice %arg15[%dma_start3A_272] : memref<2x!tpu.dma_semaphore, #tpu.memory_space<semaphore_mem>> -> memref<1x!tpu.dma_semaphore, #tpu.memory_space<semaphore_mem>>
      %dma_start3A_282 = tpu.memref_squeeze %dma_start3A_281 : memref<1x!tpu.dma_semaphore, #tpu.memory_space<semaphore_mem>> -> memref<!tpu.dma_semaphore, #tpu.memory_space<semaphore_mem>>
      %dma_start3A_283 = arith.constant 0 : i32
      %dma_start3A_284 = arith.constant 0 : i32
      %dma_start3A_285 = tpu.memref_slice %arg11[%dma_start3A_271, %dma_start3A_283, %dma_start3A_284] : memref<2x128x128xf32, #tpu.memory_space<vmem>> -> memref<1x128x128xf32, #tpu.memory_space<vmem>>
      %dma_start3A_286 = tpu.memref_squeeze %dma_start3A_285 : memref<1x128x128xf32, #tpu.memory_space<vmem>> -> memref<128x128xf32, #tpu.memory_space<vmem>>
      %dma_start3A_287 = arith.constant 0 : i32
      %dma_start3A_288 = arith.constant 0 : i32
      %dma_start3A_289 = tpu.memref_slice %arg2[%add3A_33, %dma_start3A_287, %dma_start3A_288] : memref<2500x128x128xf32, #tpu.memory_space<hbm>> -> memref<1x128x128xf32, #tpu.memory_space<hbm>>
      %dma_start3A_290 = tpu.memref_squeeze %dma_start3A_289 : memref<1x128x128xf32, #tpu.memory_space<hbm>> -> memref<128x128xf32, #tpu.memory_space<hbm>>
      tpu.enqueue_dma source(%dma_start3A_290 : memref<128x128xf32, #tpu.memory_space<hbm>>) target(%dma_start3A_286 : memref<128x128xf32, #tpu.memory_space<vmem>>) target_semaphore(%dma_start3A_282 : memref<!tpu.dma_semaphore, #tpu.memory_space<semaphore_mem>>)
      %dma_start3A_291 = arith.constant 0 : i32
      %dma_start3A_292 = arith.constant 0 : i32
      %dma_start3A_293 = arith.constant 0 : i32
      %dma_start3A_294 = arith.constant 0 : i32
      %dma_start3A_295 = tpu.memref_slice %arg12[%dma_start3A_291, %dma_start3A_293, %dma_start3A_294] : memref<2x1x128xi32, #tpu.memory_space<vmem>> -> memref<1x1x128xi32, #tpu.memory_space<vmem>>
      %dma_start3A_296 = tpu.memref_squeeze %dma_start3A_295 : memref<1x1x128xi32, #tpu.memory_space<vmem>> -> memref<1x128xi32, #tpu.memory_space<vmem>>
      %dma_start3A_297 = arith.constant 0 : i32
      %dma_start3A_298 = arith.constant 0 : i32
      %dma_start3A_299 = tpu.memref_slice %arg3[%add3A_33, %dma_start3A_297, %dma_start3A_298] : memref<2500x1x128xi32, #tpu.memory_space<hbm>> -> memref<1x1x128xi32, #tpu.memory_space<hbm>>
      %dma_start3A_300 = tpu.memref_squeeze %dma_start3A_299 : memref<1x1x128xi32, #tpu.memory_space<hbm>> -> memref<1x128xi32, #tpu.memory_space<hbm>>
      %dma_start3A_301 = tpu.memref_slice %arg16[%dma_start3A_292] : memref<2x!tpu.dma_semaphore, #tpu.memory_space<semaphore_mem>> -> memref<1x!tpu.dma_semaphore, #tpu.memory_space<semaphore_mem>>
      %dma_start3A_302 = tpu.memref_squeeze %dma_start3A_301 : memref<1x!tpu.dma_semaphore, #tpu.memory_space<semaphore_mem>> -> memref<!tpu.dma_semaphore, #tpu.memory_space<semaphore_mem>>
      %dma_start3A_303 = arith.constant 0 : i32
      %dma_start3A_304 = arith.constant 0 : i32
      %dma_start3A_305 = tpu.memref_slice %arg12[%dma_start3A_291, %dma_start3A_303, %dma_start3A_304] : memref<2x1x128xi32, #tpu.memory_space<vmem>> -> memref<1x1x128xi32, #tpu.memory_space<vmem>>
      %dma_start3A_306 = tpu.memref_squeeze %dma_start3A_305 : memref<1x1x128xi32, #tpu.memory_space<vmem>> -> memref<1x128xi32, #tpu.memory_space<vmem>>
      %dma_start3A_307 = arith.constant 0 : i32
      %dma_start3A_308 = arith.constant 0 : i32
      %dma_start3A_309 = tpu.memref_slice %arg3[%add3A_33, %dma_start3A_307, %dma_start3A_308] : memref<2500x1x128xi32, #tpu.memory_space<hbm>> -> memref<1x1x128xi32, #tpu.memory_space<hbm>>
      %dma_start3A_310 = tpu.memref_squeeze %dma_start3A_309 : memref<1x1x128xi32, #tpu.memory_space<hbm>> -> memref<1x128xi32, #tpu.memory_space<hbm>>
      tpu.enqueue_dma source(%dma_start3A_310 : memref<1x128xi32, #tpu.memory_space<hbm>>) target(%dma_start3A_306 : memref<1x128xi32, #tpu.memory_space<vmem>>) target_semaphore(%dma_start3A_302 : memref<!tpu.dma_semaphore, #tpu.memory_space<semaphore_mem>>)
    } else {
    }
    %barrier3A = arith.constant 0 : index
    tpu.barrier barrier_id(%barrier3A)
    %scan3A = arith.constant 0 : i32
    %scan3A_39 = arith.constant 40 : i32
    %scan3A_40 = arith.addi %scan3A, %scan3A_39 : i32
    %scan3A_41 = arith.constant 1 : i32
    scf.for %scan3A_271 = %scan3A to %scan3A_40 step %scan3A_41  : i32 {
      %mul3A_272 = arith.constant 2 : i32
      %mul3A_273 = arith.muli %scan3A_271, %mul3A_272 : i32
      %add3A_274 = arith.constant 0 : i32
      %add3A_275 = arith.addi %add3A_274, %mul3A_273 : i32
      %add3A_276 = arith.constant 0 : i32
      %add3A_277 = arith.addi %add3A_275, %add3A_276 : i32
      %mul3A_278 = arith.constant 32 : i32
      %mul3A_279 = arith.muli %add3A_277, %mul3A_278 : i32
      %add3A_280 = arith.addi %mul3A_279, %add3A : i32
      %lt3A_281 = arith.constant 2500 : i32
      %lt3A_282 = arith.cmpi slt, %add3A_280, %lt3A_281 : i32
      %convert_element_type3A_283 = arith.extui %lt3A_282 : i1 to i32
      %cond3A_284 = arith.constant 0 : i32
      %cond3A_285 = arith.cmpi ne, %convert_element_type3A_283, %cond3A_284 : i32
      scf.if %cond3A_285 {
        %dma_wait3A_316 = arith.constant 0 : i32
        %dma_wait3A_317 = arith.constant 0 : i32
        %dma_wait3A_318 = arith.constant 0 : i32
        %dma_wait3A_319 = arith.constant 0 : i32
        %dma_wait3A_320 = tpu.memref_slice %arg11[%dma_wait3A_316, %dma_wait3A_318, %dma_wait3A_319] : memref<2x128x128xf32, #tpu.memory_space<vmem>> -> memref<1x128x128xf32, #tpu.memory_space<vmem>>
        %dma_wait3A_321 = tpu.memref_squeeze %dma_wait3A_320 : memref<1x128x128xf32, #tpu.memory_space<vmem>> -> memref<128x128xf32, #tpu.memory_space<vmem>>
        %dma_wait3A_322 = arith.constant 0 : i32
        %dma_wait3A_323 = arith.constant 0 : i32
        %dma_wait3A_324 = tpu.memref_slice %arg2[%add3A_280, %dma_wait3A_322, %dma_wait3A_323] : memref<2500x128x128xf32, #tpu.memory_space<hbm>> -> memref<1x128x128xf32, #tpu.memory_space<hbm>>
        %dma_wait3A_325 = tpu.memref_squeeze %dma_wait3A_324 : memref<1x128x128xf32, #tpu.memory_space<hbm>> -> memref<128x128xf32, #tpu.memory_space<hbm>>
        %dma_wait3A_326 = tpu.memref_slice %arg15[%dma_wait3A_317] : memref<2x!tpu.dma_semaphore, #tpu.memory_space<semaphore_mem>> -> memref<1x!tpu.dma_semaphore, #tpu.memory_space<semaphore_mem>>
        %dma_wait3A_327 = tpu.memref_squeeze %dma_wait3A_326 : memref<1x!tpu.dma_semaphore, #tpu.memory_space<semaphore_mem>> -> memref<!tpu.dma_semaphore, #tpu.memory_space<semaphore_mem>>
        %dma_wait3A_328 = arith.constant 0 : i32
        %dma_wait3A_329 = arith.constant 0 : i32
        %dma_wait3A_330 = tpu.memref_slice %arg11[%dma_wait3A_316, %dma_wait3A_328, %dma_wait3A_329] : memref<2x128x128xf32, #tpu.memory_space<vmem>> -> memref<1x128x128xf32, #tpu.memory_space<vmem>>
        %dma_wait3A_331 = tpu.memref_squeeze %dma_wait3A_330 : memref<1x128x128xf32, #tpu.memory_space<vmem>> -> memref<128x128xf32, #tpu.memory_space<vmem>>
        %dma_wait3A_332 = arith.constant 0 : i32
        %dma_wait3A_333 = arith.constant 0 : i32
        %dma_wait3A_334 = tpu.memref_slice %arg2[%add3A_280, %dma_wait3A_332, %dma_wait3A_333] : memref<2500x128x128xf32, #tpu.memory_space<hbm>> -> memref<1x128x128xf32, #tpu.memory_space<hbm>>
        %dma_wait3A_335 = tpu.memref_squeeze %dma_wait3A_334 : memref<1x128x128xf32, #tpu.memory_space<hbm>> -> memref<128x128xf32, #tpu.memory_space<hbm>>
        tpu.wait_dma2 semaphore(%dma_wait3A_327 : memref<!tpu.dma_semaphore, #tpu.memory_space<semaphore_mem>>) src(%dma_wait3A_335 : memref<128x128xf32, #tpu.memory_space<hbm>>) dst(%dma_wait3A_331 : memref<128x128xf32, #tpu.memory_space<vmem>>)
        %dma_wait3A_336 = arith.constant 0 : i32
        %dma_wait3A_337 = arith.constant 0 : i32
        %dma_wait3A_338 = arith.constant 0 : i32
        %dma_wait3A_339 = arith.constant 0 : i32
        %dma_wait3A_340 = tpu.memref_slice %arg12[%dma_wait3A_336, %dma_wait3A_338, %dma_wait3A_339] : memref<2x1x128xi32, #tpu.memory_space<vmem>> -> memref<1x1x128xi32, #tpu.memory_space<vmem>>
        %dma_wait3A_341 = tpu.memref_squeeze %dma_wait3A_340 : memref<1x1x128xi32, #tpu.memory_space<vmem>> -> memref<1x128xi32, #tpu.memory_space<vmem>>
        %dma_wait3A_342 = arith.constant 0 : i32
        %dma_wait3A_343 = arith.constant 0 : i32
        %dma_wait3A_344 = tpu.memref_slice %arg3[%add3A_280, %dma_wait3A_342, %dma_wait3A_343] : memref<2500x1x128xi32, #tpu.memory_space<hbm>> -> memref<1x1x128xi32, #tpu.memory_space<hbm>>
        %dma_wait3A_345 = tpu.memref_squeeze %dma_wait3A_344 : memref<1x1x128xi32, #tpu.memory_space<hbm>> -> memref<1x128xi32, #tpu.memory_space<hbm>>
        %dma_wait3A_346 = tpu.memref_slice %arg16[%dma_wait3A_337] : memref<2x!tpu.dma_semaphore, #tpu.memory_space<semaphore_mem>> -> memref<1x!tpu.dma_semaphore, #tpu.memory_space<semaphore_mem>>
        %dma_wait3A_347 = tpu.memref_squeeze %dma_wait3A_346 : memref<1x!tpu.dma_semaphore, #tpu.memory_space<semaphore_mem>> -> memref<!tpu.dma_semaphore, #tpu.memory_space<semaphore_mem>>
        %dma_wait3A_348 = arith.constant 0 : i32
        %dma_wait3A_349 = arith.constant 0 : i32
        %dma_wait3A_350 = tpu.memref_slice %arg12[%dma_wait3A_336, %dma_wait3A_348, %dma_wait3A_349] : memref<2x1x128xi32, #tpu.memory_space<vmem>> -> memref<1x1x128xi32, #tpu.memory_space<vmem>>
        %dma_wait3A_351 = tpu.memref_squeeze %dma_wait3A_350 : memref<1x1x128xi32, #tpu.memory_space<vmem>> -> memref<1x128xi32, #tpu.memory_space<vmem>>
        %dma_wait3A_352 = arith.constant 0 : i32
        %dma_wait3A_353 = arith.constant 0 : i32
        %dma_wait3A_354 = tpu.memref_slice %arg3[%add3A_280, %dma_wait3A_352, %dma_wait3A_353] : memref<2500x1x128xi32, #tpu.memory_space<hbm>> -> memref<1x1x128xi32, #tpu.memory_space<hbm>>
        %dma_wait3A_355 = tpu.memref_squeeze %dma_wait3A_354 : memref<1x1x128xi32, #tpu.memory_space<hbm>> -> memref<1x128xi32, #tpu.memory_space<hbm>>
        tpu.wait_dma2 semaphore(%dma_wait3A_347 : memref<!tpu.dma_semaphore, #tpu.memory_space<semaphore_mem>>) src(%dma_wait3A_355 : memref<1x128xi32, #tpu.memory_space<hbm>>) dst(%dma_wait3A_351 : memref<1x128xi32, #tpu.memory_space<vmem>>)
        %dma_start3A_356 = arith.constant 0 : i32
        %dma_start3A_357 = arith.constant 0 : i32
        %dma_start3A_358 = arith.constant 0 : i32
        %dma_start3A_359 = arith.constant 0 : i32
        %dma_start3A_360 = arith.constant 0 : i32
        %dma_start3A_361 = arith.constant 0 : i32
        %dma_start3A_362 = tpu.memref_slice %arg11[%dma_start3A_356, %dma_start3A_360, %dma_start3A_361] : memref<2x128x128xf32, #tpu.memory_space<vmem>> -> memref<1x128x128xf32, #tpu.memory_space<vmem>>
        %dma_start3A_363 = tpu.memref_squeeze %dma_start3A_362 : memref<1x128x128xf32, #tpu.memory_space<vmem>> -> memref<128x128xf32, #tpu.memory_space<vmem>>
        %dma_start3A_364 = arith.constant 0 : i32
        %dma_start3A_365 = tpu.memref_slice %arg12[%dma_start3A_357, %dma_start3A_358, %dma_start3A_364] : memref<2x1x128xi32, #tpu.memory_space<vmem>> -> memref<1x1x128xi32, #tpu.memory_space<vmem>>
        %dma_start3A_366 = tpu.memref_squeeze %dma_start3A_365 : memref<1x1x128xi32, #tpu.memory_space<vmem>> -> memref<128xi32, #tpu.memory_space<vmem>>
        %dma_start3A_367 = arith.constant 0 : i32
        %dma_start3A_368 = arith.constant 0 : i32
        %dma_start3A_369 = tpu.memref_slice %arg9[%dma_start3A_367, %dma_start3A_368] : memref<10240x128xf32, #tpu.memory_space<vmem_shared>> -> memref<10240x128xf32, #tpu.memory_space<vmem_shared>>
        %dma_start3A_370 = tpu.memref_slice %arg17[%dma_start3A_359] : memref<2x!tpu.dma_semaphore, #tpu.memory_space<semaphore_mem>> -> memref<1x!tpu.dma_semaphore, #tpu.memory_space<semaphore_mem>>
        %dma_start3A_371 = tpu.memref_squeeze %dma_start3A_370 : memref<1x!tpu.dma_semaphore, #tpu.memory_space<semaphore_mem>> -> memref<!tpu.dma_semaphore, #tpu.memory_space<semaphore_mem>>
        tpu.enqueue_indirect_dma source(%dma_start3A_363 : memref<128x128xf32, #tpu.memory_space<vmem>>) target(%dma_start3A_369 : memref<10240x128xf32, #tpu.memory_space<vmem_shared>>) offsets(%dma_start3A_366 : memref<128xi32, #tpu.memory_space<vmem>>) semaphore(%dma_start3A_371 : memref<!tpu.dma_semaphore, #tpu.memory_space<semaphore_mem>>) {add = true}
        %dma_start3A_372 = arith.constant 0 : i32
        %dma_start3A_373 = arith.constant 0 : i32
        %dma_start3A_374 = arith.constant 0 : i32
        %dma_start3A_375 = arith.constant 0 : i32
        %dma_start3A_376 = tpu.memref_slice %arg12[%dma_start3A_372, %dma_start3A_373, %dma_start3A_375] : memref<2x1x128xi32, #tpu.memory_space<vmem>> -> memref<1x1x128xi32, #tpu.memory_space<vmem>>
        %dma_start3A_377 = tpu.memref_squeeze %dma_start3A_376 : memref<1x1x128xi32, #tpu.memory_space<vmem>> -> memref<128xi32, #tpu.memory_space<vmem>>
        %dma_start3A_378 = arith.constant 0 : i32
        %dma_start3A_379 = tpu.memref_slice %arg10[%dma_start3A_378] : memref<10240xf32, #tpu.memory_space<vmem_shared>> -> memref<10240xf32, #tpu.memory_space<vmem_shared>>
        %dma_start3A_380 = tpu.memref_slice %arg18[%dma_start3A_374] : memref<2x!tpu.dma_semaphore, #tpu.memory_space<semaphore_mem>> -> memref<1x!tpu.dma_semaphore, #tpu.memory_space<semaphore_mem>>
        %dma_start3A_381 = tpu.memref_squeeze %dma_start3A_380 : memref<1x!tpu.dma_semaphore, #tpu.memory_space<semaphore_mem>> -> memref<!tpu.dma_semaphore, #tpu.memory_space<semaphore_mem>>
        tpu.enqueue_indirect_dma source(%arg13 : memref<128xf32, #tpu.memory_space<vmem>>) target(%dma_start3A_379 : memref<10240xf32, #tpu.memory_space<vmem_shared>>) offsets(%dma_start3A_377 : memref<128xi32, #tpu.memory_space<vmem>>) semaphore(%dma_start3A_381 : memref<!tpu.dma_semaphore, #tpu.memory_space<semaphore_mem>>) {add = true}
        %dma_wait3A_382 = arith.constant 0 : i32
        %dma_wait3A_383 = arith.constant 0 : i32
        %dma_wait3A_384 = arith.constant 0 : i32
        %dma_wait3A_385 = arith.constant 0 : i32
        %dma_wait3A_386 = arith.constant 0 : i32
        %dma_wait3A_387 = arith.constant 0 : i32
        %dma_wait3A_388 = tpu.memref_slice %arg11[%dma_wait3A_382, %dma_wait3A_386, %dma_wait3A_387] : memref<2x128x128xf32, #tpu.memory_space<vmem>> -> memref<1x128x128xf32, #tpu.memory_space<vmem>>
        %dma_wait3A_389 = tpu.memref_squeeze %dma_wait3A_388 : memref<1x128x128xf32, #tpu.memory_space<vmem>> -> memref<128x128xf32, #tpu.memory_space<vmem>>
        %dma_wait3A_390 = arith.constant 0 : i32
        %dma_wait3A_391 = tpu.memref_slice %arg12[%dma_wait3A_383, %dma_wait3A_384, %dma_wait3A_390] : memref<2x1x128xi32, #tpu.memory_space<vmem>> -> memref<1x1x128xi32, #tpu.memory_space<vmem>>
        %dma_wait3A_392 = tpu.memref_squeeze %dma_wait3A_391 : memref<1x1x128xi32, #tpu.memory_space<vmem>> -> memref<128xi32, #tpu.memory_space<vmem>>
        %dma_wait3A_393 = arith.constant 0 : i32
        %dma_wait3A_394 = arith.constant 0 : i32
        %dma_wait3A_395 = tpu.memref_slice %arg9[%dma_wait3A_393, %dma_wait3A_394] : memref<10240x128xf32, #tpu.memory_space<vmem_shared>> -> memref<10240x128xf32, #tpu.memory_space<vmem_shared>>
        %dma_wait3A_396 = tpu.memref_slice %arg17[%dma_wait3A_385] : memref<2x!tpu.dma_semaphore, #tpu.memory_space<semaphore_mem>> -> memref<1x!tpu.dma_semaphore, #tpu.memory_space<semaphore_mem>>
        %dma_wait3A_397 = tpu.memref_squeeze %dma_wait3A_396 : memref<1x!tpu.dma_semaphore, #tpu.memory_space<semaphore_mem>> -> memref<!tpu.dma_semaphore, #tpu.memory_space<semaphore_mem>>
        tpu.wait_indirect_dma semaphore(%dma_wait3A_397 : memref<!tpu.dma_semaphore, #tpu.memory_space<semaphore_mem>>) src(%dma_wait3A_389 : memref<128x128xf32, #tpu.memory_space<vmem>>) dst(%dma_wait3A_395 : memref<10240x128xf32, #tpu.memory_space<vmem_shared>>)
        %dma_wait3A_398 = arith.constant 0 : i32
        %dma_wait3A_399 = arith.constant 0 : i32
        %dma_wait3A_400 = arith.constant 0 : i32
        %dma_wait3A_401 = arith.constant 0 : i32
        %dma_wait3A_402 = tpu.memref_slice %arg12[%dma_wait3A_398, %dma_wait3A_399, %dma_wait3A_401] : memref<2x1x128xi32, #tpu.memory_space<vmem>> -> memref<1x1x128xi32, #tpu.memory_space<vmem>>
        %dma_wait3A_403 = tpu.memref_squeeze %dma_wait3A_402 : memref<1x1x128xi32, #tpu.memory_space<vmem>> -> memref<128xi32, #tpu.memory_space<vmem>>
        %dma_wait3A_404 = arith.constant 0 : i32
        %dma_wait3A_405 = tpu.memref_slice %arg10[%dma_wait3A_404] : memref<10240xf32, #tpu.memory_space<vmem_shared>> -> memref<10240xf32, #tpu.memory_space<vmem_shared>>
        %dma_wait3A_406 = tpu.memref_slice %arg18[%dma_wait3A_400] : memref<2x!tpu.dma_semaphore, #tpu.memory_space<semaphore_mem>> -> memref<1x!tpu.dma_semaphore, #tpu.memory_space<semaphore_mem>>
        %dma_wait3A_407 = tpu.memref_squeeze %dma_wait3A_406 : memref<1x!tpu.dma_semaphore, #tpu.memory_space<semaphore_mem>> -> memref<!tpu.dma_semaphore, #tpu.memory_space<semaphore_mem>>
        tpu.wait_indirect_dma semaphore(%dma_wait3A_407 : memref<!tpu.dma_semaphore, #tpu.memory_space<semaphore_mem>>) src(%arg13 : memref<128xf32, #tpu.memory_space<vmem>>) dst(%dma_wait3A_405 : memref<10240xf32, #tpu.memory_space<vmem_shared>>)
      } else {
      }
      %add3A_286 = arith.constant 2 : i32
      %add3A_287 = arith.addi %add3A_277, %add3A_286 : i32
      %mul3A_288 = arith.constant 32 : i32
      %mul3A_289 = arith.muli %add3A_287, %mul3A_288 : i32
      %add3A_290 = arith.addi %mul3A_289, %add3A : i32
      %lt3A_291 = arith.constant 2500 : i32
      %lt3A_292 = arith.cmpi slt, %add3A_290, %lt3A_291 : i32
      %convert_element_type3A_293 = arith.extui %lt3A_292 : i1 to i32
      %cond3A_294 = arith.constant 0 : i32
      %cond3A_295 = arith.cmpi ne, %convert_element_type3A_293, %cond3A_294 : i32
      scf.if %cond3A_295 {
        %dma_start3A_316 = arith.constant 0 : i32
        %dma_start3A_317 = arith.constant 0 : i32
        %dma_start3A_318 = arith.constant 0 : i32
        %dma_start3A_319 = arith.constant 0 : i32
        %dma_start3A_320 = tpu.memref_slice %arg11[%dma_start3A_316, %dma_start3A_318, %dma_start3A_319] : memref<2x128x128xf32, #tpu.memory_space<vmem>> -> memref<1x128x128xf32, #tpu.memory_space<vmem>>
        %dma_start3A_321 = tpu.memref_squeeze %dma_start3A_320 : memref<1x128x128xf32, #tpu.memory_space<vmem>> -> memref<128x128xf32, #tpu.memory_space<vmem>>
        %dma_start3A_322 = arith.constant 0 : i32
        %dma_start3A_323 = arith.constant 0 : i32
        %dma_start3A_324 = tpu.memref_slice %arg2[%add3A_290, %dma_start3A_322, %dma_start3A_323] : memref<2500x128x128xf32, #tpu.memory_space<hbm>> -> memref<1x128x128xf32, #tpu.memory_space<hbm>>
        %dma_start3A_325 = tpu.memref_squeeze %dma_start3A_324 : memref<1x128x128xf32, #tpu.memory_space<hbm>> -> memref<128x128xf32, #tpu.memory_space<hbm>>
        %dma_start3A_326 = tpu.memref_slice %arg15[%dma_start3A_317] : memref<2x!tpu.dma_semaphore, #tpu.memory_space<semaphore_mem>> -> memref<1x!tpu.dma_semaphore, #tpu.memory_space<semaphore_mem>>
        %dma_start3A_327 = tpu.memref_squeeze %dma_start3A_326 : memref<1x!tpu.dma_semaphore, #tpu.memory_space<semaphore_mem>> -> memref<!tpu.dma_semaphore, #tpu.memory_space<semaphore_mem>>
        %dma_start3A_328 = arith.constant 0 : i32
        %dma_start3A_329 = arith.constant 0 : i32
        %dma_start3A_330 = tpu.memref_slice %arg11[%dma_start3A_316, %dma_start3A_328, %dma_start3A_329] : memref<2x128x128xf32, #tpu.memory_space<vmem>> -> memref<1x128x128xf32, #tpu.memory_space<vmem>>
        %dma_start3A_331 = tpu.memref_squeeze %dma_start3A_330 : memref<1x128x128xf32, #tpu.memory_space<vmem>> -> memref<128x128xf32, #tpu.memory_space<vmem>>
        %dma_start3A_332 = arith.constant 0 : i32
        %dma_start3A_333 = arith.constant 0 : i32
        %dma_start3A_334 = tpu.memref_slice %arg2[%add3A_290, %dma_start3A_332, %dma_start3A_333] : memref<2500x128x128xf32, #tpu.memory_space<hbm>> -> memref<1x128x128xf32, #tpu.memory_space<hbm>>
        %dma_start3A_335 = tpu.memref_squeeze %dma_start3A_334 : memref<1x128x128xf32, #tpu.memory_space<hbm>> -> memref<128x128xf32, #tpu.memory_space<hbm>>
        tpu.enqueue_dma source(%dma_start3A_335 : memref<128x128xf32, #tpu.memory_space<hbm>>) target(%dma_start3A_331 : memref<128x128xf32, #tpu.memory_space<vmem>>) target_semaphore(%dma_start3A_327 : memref<!tpu.dma_semaphore, #tpu.memory_space<semaphore_mem>>)
        %dma_start3A_336 = arith.constant 0 : i32
        %dma_start3A_337 = arith.constant 0 : i32
        %dma_start3A_338 = arith.constant 0 : i32
        %dma_start3A_339 = arith.constant 0 : i32
        %dma_start3A_340 = tpu.memref_slice %arg12[%dma_start3A_336, %dma_start3A_338, %dma_start3A_339] : memref<2x1x128xi32, #tpu.memory_space<vmem>> -> memref<1x1x128xi32, #tpu.memory_space<vmem>>
        %dma_start3A_341 = tpu.memref_squeeze %dma_start3A_340 : memref<1x1x128xi32, #tpu.memory_space<vmem>> -> memref<1x128xi32, #tpu.memory_space<vmem>>
        %dma_start3A_342 = arith.constant 0 : i32
        %dma_start3A_343 = arith.constant 0 : i32
        %dma_start3A_344 = tpu.memref_slice %arg3[%add3A_290, %dma_start3A_342, %dma_start3A_343] : memref<2500x1x128xi32, #tpu.memory_space<hbm>> -> memref<1x1x128xi32, #tpu.memory_space<hbm>>
        %dma_start3A_345 = tpu.memref_squeeze %dma_start3A_344 : memref<1x1x128xi32, #tpu.memory_space<hbm>> -> memref<1x128xi32, #tpu.memory_space<hbm>>
        %dma_start3A_346 = tpu.memref_slice %arg16[%dma_start3A_337] : memref<2x!tpu.dma_semaphore, #tpu.memory_space<semaphore_mem>> -> memref<1x!tpu.dma_semaphore, #tpu.memory_space<semaphore_mem>>
        %dma_start3A_347 = tpu.memref_squeeze %dma_start3A_346 : memref<1x!tpu.dma_semaphore, #tpu.memory_space<semaphore_mem>> -> memref<!tpu.dma_semaphore, #tpu.memory_space<semaphore_mem>>
        %dma_start3A_348 = arith.constant 0 : i32
        %dma_start3A_349 = arith.constant 0 : i32
        %dma_start3A_350 = tpu.memref_slice %arg12[%dma_start3A_336, %dma_start3A_348, %dma_start3A_349] : memref<2x1x128xi32, #tpu.memory_space<vmem>> -> memref<1x1x128xi32, #tpu.memory_space<vmem>>
        %dma_start3A_351 = tpu.memref_squeeze %dma_start3A_350 : memref<1x1x128xi32, #tpu.memory_space<vmem>> -> memref<1x128xi32, #tpu.memory_space<vmem>>
        %dma_start3A_352 = arith.constant 0 : i32
        %dma_start3A_353 = arith.constant 0 : i32
        %dma_start3A_354 = tpu.memref_slice %arg3[%add3A_290, %dma_start3A_352, %dma_start3A_353] : memref<2500x1x128xi32, #tpu.memory_space<hbm>> -> memref<1x1x128xi32, #tpu.memory_space<hbm>>
        %dma_start3A_355 = tpu.memref_squeeze %dma_start3A_354 : memref<1x1x128xi32, #tpu.memory_space<hbm>> -> memref<1x128xi32, #tpu.memory_space<hbm>>
        tpu.enqueue_dma source(%dma_start3A_355 : memref<1x128xi32, #tpu.memory_space<hbm>>) target(%dma_start3A_351 : memref<1x128xi32, #tpu.memory_space<vmem>>) target_semaphore(%dma_start3A_347 : memref<!tpu.dma_semaphore, #tpu.memory_space<semaphore_mem>>)
      } else {
      }
      %add3A_296 = arith.constant 1 : i32
      %add3A_297 = arith.addi %add3A_275, %add3A_296 : i32
      %mul3A_298 = arith.constant 32 : i32
      %mul3A_299 = arith.muli %add3A_297, %mul3A_298 : i32
      %add3A_300 = arith.addi %mul3A_299, %add3A : i32
      %lt3A_301 = arith.constant 2500 : i32
      %lt3A_302 = arith.cmpi slt, %add3A_300, %lt3A_301 : i32
      %convert_element_type3A_303 = arith.extui %lt3A_302 : i1 to i32
      %cond3A_304 = arith.constant 0 : i32
      %cond3A_305 = arith.cmpi ne, %convert_element_type3A_303, %cond3A_304 : i32
      scf.if %cond3A_305 {
        %dma_wait3A_316 = arith.constant 1 : i32
        %dma_wait3A_317 = arith.constant 1 : i32
        %dma_wait3A_318 = arith.constant 0 : i32
        %dma_wait3A_319 = arith.constant 0 : i32
        %dma_wait3A_320 = tpu.memref_slice %arg11[%dma_wait3A_316, %dma_wait3A_318, %dma_wait3A_319] : memref<2x128x128xf32, #tpu.memory_space<vmem>> -> memref<1x128x128xf32, #tpu.memory_space<vmem>>
        %dma_wait3A_321 = tpu.memref_squeeze %dma_wait3A_320 : memref<1x128x128xf32, #tpu.memory_space<vmem>> -> memref<128x128xf32, #tpu.memory_space<vmem>>
        %dma_wait3A_322 = arith.constant 0 : i32
        %dma_wait3A_323 = arith.constant 0 : i32
        %dma_wait3A_324 = tpu.memref_slice %arg2[%add3A_300, %dma_wait3A_322, %dma_wait3A_323] : memref<2500x128x128xf32, #tpu.memory_space<hbm>> -> memref<1x128x128xf32, #tpu.memory_space<hbm>>
        %dma_wait3A_325 = tpu.memref_squeeze %dma_wait3A_324 : memref<1x128x128xf32, #tpu.memory_space<hbm>> -> memref<128x128xf32, #tpu.memory_space<hbm>>
        %dma_wait3A_326 = tpu.memref_slice %arg15[%dma_wait3A_317] : memref<2x!tpu.dma_semaphore, #tpu.memory_space<semaphore_mem>> -> memref<1x!tpu.dma_semaphore, #tpu.memory_space<semaphore_mem>>
        %dma_wait3A_327 = tpu.memref_squeeze %dma_wait3A_326 : memref<1x!tpu.dma_semaphore, #tpu.memory_space<semaphore_mem>> -> memref<!tpu.dma_semaphore, #tpu.memory_space<semaphore_mem>>
        %dma_wait3A_328 = arith.constant 0 : i32
        %dma_wait3A_329 = arith.constant 0 : i32
        %dma_wait3A_330 = tpu.memref_slice %arg11[%dma_wait3A_316, %dma_wait3A_328, %dma_wait3A_329] : memref<2x128x128xf32, #tpu.memory_space<vmem>> -> memref<1x128x128xf32, #tpu.memory_space<vmem>>
        %dma_wait3A_331 = tpu.memref_squeeze %dma_wait3A_330 : memref<1x128x128xf32, #tpu.memory_space<vmem>> -> memref<128x128xf32, #tpu.memory_space<vmem>>
        %dma_wait3A_332 = arith.constant 0 : i32
        %dma_wait3A_333 = arith.constant 0 : i32
        %dma_wait3A_334 = tpu.memref_slice %arg2[%add3A_300, %dma_wait3A_332, %dma_wait3A_333] : memref<2500x128x128xf32, #tpu.memory_space<hbm>> -> memref<1x128x128xf32, #tpu.memory_space<hbm>>
        %dma_wait3A_335 = tpu.memref_squeeze %dma_wait3A_334 : memref<1x128x128xf32, #tpu.memory_space<hbm>> -> memref<128x128xf32, #tpu.memory_space<hbm>>
        tpu.wait_dma2 semaphore(%dma_wait3A_327 : memref<!tpu.dma_semaphore, #tpu.memory_space<semaphore_mem>>) src(%dma_wait3A_335 : memref<128x128xf32, #tpu.memory_space<hbm>>) dst(%dma_wait3A_331 : memref<128x128xf32, #tpu.memory_space<vmem>>)
        %dma_wait3A_336 = arith.constant 1 : i32
        %dma_wait3A_337 = arith.constant 1 : i32
        %dma_wait3A_338 = arith.constant 0 : i32
        %dma_wait3A_339 = arith.constant 0 : i32
        %dma_wait3A_340 = tpu.memref_slice %arg12[%dma_wait3A_336, %dma_wait3A_338, %dma_wait3A_339] : memref<2x1x128xi32, #tpu.memory_space<vmem>> -> memref<1x1x128xi32, #tpu.memory_space<vmem>>
        %dma_wait3A_341 = tpu.memref_squeeze %dma_wait3A_340 : memref<1x1x128xi32, #tpu.memory_space<vmem>> -> memref<1x128xi32, #tpu.memory_space<vmem>>
        %dma_wait3A_342 = arith.constant 0 : i32
        %dma_wait3A_343 = arith.constant 0 : i32
        %dma_wait3A_344 = tpu.memref_slice %arg3[%add3A_300, %dma_wait3A_342, %dma_wait3A_343] : memref<2500x1x128xi32, #tpu.memory_space<hbm>> -> memref<1x1x128xi32, #tpu.memory_space<hbm>>
        %dma_wait3A_345 = tpu.memref_squeeze %dma_wait3A_344 : memref<1x1x128xi32, #tpu.memory_space<hbm>> -> memref<1x128xi32, #tpu.memory_space<hbm>>
        %dma_wait3A_346 = tpu.memref_slice %arg16[%dma_wait3A_337] : memref<2x!tpu.dma_semaphore, #tpu.memory_space<semaphore_mem>> -> memref<1x!tpu.dma_semaphore, #tpu.memory_space<semaphore_mem>>
        %dma_wait3A_347 = tpu.memref_squeeze %dma_wait3A_346 : memref<1x!tpu.dma_semaphore, #tpu.memory_space<semaphore_mem>> -> memref<!tpu.dma_semaphore, #tpu.memory_space<semaphore_mem>>
        %dma_wait3A_348 = arith.constant 0 : i32
        %dma_wait3A_349 = arith.constant 0 : i32
        %dma_wait3A_350 = tpu.memref_slice %arg12[%dma_wait3A_336, %dma_wait3A_348, %dma_wait3A_349] : memref<2x1x128xi32, #tpu.memory_space<vmem>> -> memref<1x1x128xi32, #tpu.memory_space<vmem>>
        %dma_wait3A_351 = tpu.memref_squeeze %dma_wait3A_350 : memref<1x1x128xi32, #tpu.memory_space<vmem>> -> memref<1x128xi32, #tpu.memory_space<vmem>>
        %dma_wait3A_352 = arith.constant 0 : i32
        %dma_wait3A_353 = arith.constant 0 : i32
        %dma_wait3A_354 = tpu.memref_slice %arg3[%add3A_300, %dma_wait3A_352, %dma_wait3A_353] : memref<2500x1x128xi32, #tpu.memory_space<hbm>> -> memref<1x1x128xi32, #tpu.memory_space<hbm>>
        %dma_wait3A_355 = tpu.memref_squeeze %dma_wait3A_354 : memref<1x1x128xi32, #tpu.memory_space<hbm>> -> memref<1x128xi32, #tpu.memory_space<hbm>>
        tpu.wait_dma2 semaphore(%dma_wait3A_347 : memref<!tpu.dma_semaphore, #tpu.memory_space<semaphore_mem>>) src(%dma_wait3A_355 : memref<1x128xi32, #tpu.memory_space<hbm>>) dst(%dma_wait3A_351 : memref<1x128xi32, #tpu.memory_space<vmem>>)
        %dma_start3A_356 = arith.constant 1 : i32
        %dma_start3A_357 = arith.constant 1 : i32
        %dma_start3A_358 = arith.constant 0 : i32
        %dma_start3A_359 = arith.constant 1 : i32
        %dma_start3A_360 = arith.constant 0 : i32
        %dma_start3A_361 = arith.constant 0 : i32
        %dma_start3A_362 = tpu.memref_slice %arg11[%dma_start3A_356, %dma_start3A_360, %dma_start3A_361] : memref<2x128x128xf32, #tpu.memory_space<vmem>> -> memref<1x128x128xf32, #tpu.memory_space<vmem>>
        %dma_start3A_363 = tpu.memref_squeeze %dma_start3A_362 : memref<1x128x128xf32, #tpu.memory_space<vmem>> -> memref<128x128xf32, #tpu.memory_space<vmem>>
        %dma_start3A_364 = arith.constant 0 : i32
        %dma_start3A_365 = tpu.memref_slice %arg12[%dma_start3A_357, %dma_start3A_358, %dma_start3A_364] : memref<2x1x128xi32, #tpu.memory_space<vmem>> -> memref<1x1x128xi32, #tpu.memory_space<vmem>>
        %dma_start3A_366 = tpu.memref_squeeze %dma_start3A_365 : memref<1x1x128xi32, #tpu.memory_space<vmem>> -> memref<128xi32, #tpu.memory_space<vmem>>
        %dma_start3A_367 = arith.constant 0 : i32
        %dma_start3A_368 = arith.constant 0 : i32
        %dma_start3A_369 = tpu.memref_slice %arg9[%dma_start3A_367, %dma_start3A_368] : memref<10240x128xf32, #tpu.memory_space<vmem_shared>> -> memref<10240x128xf32, #tpu.memory_space<vmem_shared>>
        %dma_start3A_370 = tpu.memref_slice %arg17[%dma_start3A_359] : memref<2x!tpu.dma_semaphore, #tpu.memory_space<semaphore_mem>> -> memref<1x!tpu.dma_semaphore, #tpu.memory_space<semaphore_mem>>
        %dma_start3A_371 = tpu.memref_squeeze %dma_start3A_370 : memref<1x!tpu.dma_semaphore, #tpu.memory_space<semaphore_mem>> -> memref<!tpu.dma_semaphore, #tpu.memory_space<semaphore_mem>>
        tpu.enqueue_indirect_dma source(%dma_start3A_363 : memref<128x128xf32, #tpu.memory_space<vmem>>) target(%dma_start3A_369 : memref<10240x128xf32, #tpu.memory_space<vmem_shared>>) offsets(%dma_start3A_366 : memref<128xi32, #tpu.memory_space<vmem>>) semaphore(%dma_start3A_371 : memref<!tpu.dma_semaphore, #tpu.memory_space<semaphore_mem>>) {add = true}
        %dma_start3A_372 = arith.constant 1 : i32
        %dma_start3A_373 = arith.constant 0 : i32
        %dma_start3A_374 = arith.constant 1 : i32
        %dma_start3A_375 = arith.constant 0 : i32
        %dma_start3A_376 = tpu.memref_slice %arg12[%dma_start3A_372, %dma_start3A_373, %dma_start3A_375] : memref<2x1x128xi32, #tpu.memory_space<vmem>> -> memref<1x1x128xi32, #tpu.memory_space<vmem>>
        %dma_start3A_377 = tpu.memref_squeeze %dma_start3A_376 : memref<1x1x128xi32, #tpu.memory_space<vmem>> -> memref<128xi32, #tpu.memory_space<vmem>>
        %dma_start3A_378 = arith.constant 0 : i32
        %dma_start3A_379 = tpu.memref_slice %arg10[%dma_start3A_378] : memref<10240xf32, #tpu.memory_space<vmem_shared>> -> memref<10240xf32, #tpu.memory_space<vmem_shared>>
        %dma_start3A_380 = tpu.memref_slice %arg18[%dma_start3A_374] : memref<2x!tpu.dma_semaphore, #tpu.memory_space<semaphore_mem>> -> memref<1x!tpu.dma_semaphore, #tpu.memory_space<semaphore_mem>>
        %dma_start3A_381 = tpu.memref_squeeze %dma_start3A_380 : memref<1x!tpu.dma_semaphore, #tpu.memory_space<semaphore_mem>> -> memref<!tpu.dma_semaphore, #tpu.memory_space<semaphore_mem>>
        tpu.enqueue_indirect_dma source(%arg13 : memref<128xf32, #tpu.memory_space<vmem>>) target(%dma_start3A_379 : memref<10240xf32, #tpu.memory_space<vmem_shared>>) offsets(%dma_start3A_377 : memref<128xi32, #tpu.memory_space<vmem>>) semaphore(%dma_start3A_381 : memref<!tpu.dma_semaphore, #tpu.memory_space<semaphore_mem>>) {add = true}
        %dma_wait3A_382 = arith.constant 1 : i32
        %dma_wait3A_383 = arith.constant 1 : i32
        %dma_wait3A_384 = arith.constant 0 : i32
        %dma_wait3A_385 = arith.constant 1 : i32
        %dma_wait3A_386 = arith.constant 0 : i32
        %dma_wait3A_387 = arith.constant 0 : i32
        %dma_wait3A_388 = tpu.memref_slice %arg11[%dma_wait3A_382, %dma_wait3A_386, %dma_wait3A_387] : memref<2x128x128xf32, #tpu.memory_space<vmem>> -> memref<1x128x128xf32, #tpu.memory_space<vmem>>
        %dma_wait3A_389 = tpu.memref_squeeze %dma_wait3A_388 : memref<1x128x128xf32, #tpu.memory_space<vmem>> -> memref<128x128xf32, #tpu.memory_space<vmem>>
        %dma_wait3A_390 = arith.constant 0 : i32
        %dma_wait3A_391 = tpu.memref_slice %arg12[%dma_wait3A_383, %dma_wait3A_384, %dma_wait3A_390] : memref<2x1x128xi32, #tpu.memory_space<vmem>> -> memref<1x1x128xi32, #tpu.memory_space<vmem>>
        %dma_wait3A_392 = tpu.memref_squeeze %dma_wait3A_391 : memref<1x1x128xi32, #tpu.memory_space<vmem>> -> memref<128xi32, #tpu.memory_space<vmem>>
        %dma_wait3A_393 = arith.constant 0 : i32
        %dma_wait3A_394 = arith.constant 0 : i32
        %dma_wait3A_395 = tpu.memref_slice %arg9[%dma_wait3A_393, %dma_wait3A_394] : memref<10240x128xf32, #tpu.memory_space<vmem_shared>> -> memref<10240x128xf32, #tpu.memory_space<vmem_shared>>
        %dma_wait3A_396 = tpu.memref_slice %arg17[%dma_wait3A_385] : memref<2x!tpu.dma_semaphore, #tpu.memory_space<semaphore_mem>> -> memref<1x!tpu.dma_semaphore, #tpu.memory_space<semaphore_mem>>
        %dma_wait3A_397 = tpu.memref_squeeze %dma_wait3A_396 : memref<1x!tpu.dma_semaphore, #tpu.memory_space<semaphore_mem>> -> memref<!tpu.dma_semaphore, #tpu.memory_space<semaphore_mem>>
        tpu.wait_indirect_dma semaphore(%dma_wait3A_397 : memref<!tpu.dma_semaphore, #tpu.memory_space<semaphore_mem>>) src(%dma_wait3A_389 : memref<128x128xf32, #tpu.memory_space<vmem>>) dst(%dma_wait3A_395 : memref<10240x128xf32, #tpu.memory_space<vmem_shared>>)
        %dma_wait3A_398 = arith.constant 1 : i32
        %dma_wait3A_399 = arith.constant 0 : i32
        %dma_wait3A_400 = arith.constant 1 : i32
        %dma_wait3A_401 = arith.constant 0 : i32
        %dma_wait3A_402 = tpu.memref_slice %arg12[%dma_wait3A_398, %dma_wait3A_399, %dma_wait3A_401] : memref<2x1x128xi32, #tpu.memory_space<vmem>> -> memref<1x1x128xi32, #tpu.memory_space<vmem>>
        %dma_wait3A_403 = tpu.memref_squeeze %dma_wait3A_402 : memref<1x1x128xi32, #tpu.memory_space<vmem>> -> memref<128xi32, #tpu.memory_space<vmem>>
        %dma_wait3A_404 = arith.constant 0 : i32
        %dma_wait3A_405 = tpu.memref_slice %arg10[%dma_wait3A_404] : memref<10240xf32, #tpu.memory_space<vmem_shared>> -> memref<10240xf32, #tpu.memory_space<vmem_shared>>
        %dma_wait3A_406 = tpu.memref_slice %arg18[%dma_wait3A_400] : memref<2x!tpu.dma_semaphore, #tpu.memory_space<semaphore_mem>> -> memref<1x!tpu.dma_semaphore, #tpu.memory_space<semaphore_mem>>
        %dma_wait3A_407 = tpu.memref_squeeze %dma_wait3A_406 : memref<1x!tpu.dma_semaphore, #tpu.memory_space<semaphore_mem>> -> memref<!tpu.dma_semaphore, #tpu.memory_space<semaphore_mem>>
        tpu.wait_indirect_dma semaphore(%dma_wait3A_407 : memref<!tpu.dma_semaphore, #tpu.memory_space<semaphore_mem>>) src(%arg13 : memref<128xf32, #tpu.memory_space<vmem>>) dst(%dma_wait3A_405 : memref<10240xf32, #tpu.memory_space<vmem_shared>>)
      } else {
      }
      %add3A_306 = arith.constant 2 : i32
      %add3A_307 = arith.addi %add3A_297, %add3A_306 : i32
      %mul3A_308 = arith.constant 32 : i32
      %mul3A_309 = arith.muli %add3A_307, %mul3A_308 : i32
      %add3A_310 = arith.addi %mul3A_309, %add3A : i32
      %lt3A_311 = arith.constant 2500 : i32
      %lt3A_312 = arith.cmpi slt, %add3A_310, %lt3A_311 : i32
      %convert_element_type3A_313 = arith.extui %lt3A_312 : i1 to i32
      %cond3A_314 = arith.constant 0 : i32
      %cond3A_315 = arith.cmpi ne, %convert_element_type3A_313, %cond3A_314 : i32
      scf.if %cond3A_315 {
        %dma_start3A_316 = arith.constant 1 : i32
        %dma_start3A_317 = arith.constant 1 : i32
        %dma_start3A_318 = arith.constant 0 : i32
        %dma_start3A_319 = arith.constant 0 : i32
        %dma_start3A_320 = tpu.memref_slice %arg11[%dma_start3A_316, %dma_start3A_318, %dma_start3A_319] : memref<2x128x128xf32, #tpu.memory_space<vmem>> -> memref<1x128x128xf32, #tpu.memory_space<vmem>>
        %dma_start3A_321 = tpu.memref_squeeze %dma_start3A_320 : memref<1x128x128xf32, #tpu.memory_space<vmem>> -> memref<128x128xf32, #tpu.memory_space<vmem>>
        %dma_start3A_322 = arith.constant 0 : i32
        %dma_start3A_323 = arith.constant 0 : i32
        %dma_start3A_324 = tpu.memref_slice %arg2[%add3A_310, %dma_start3A_322, %dma_start3A_323] : memref<2500x128x128xf32, #tpu.memory_space<hbm>> -> memref<1x128x128xf32, #tpu.memory_space<hbm>>
        %dma_start3A_325 = tpu.memref_squeeze %dma_start3A_324 : memref<1x128x128xf32, #tpu.memory_space<hbm>> -> memref<128x128xf32, #tpu.memory_space<hbm>>
        %dma_start3A_326 = tpu.memref_slice %arg15[%dma_start3A_317] : memref<2x!tpu.dma_semaphore, #tpu.memory_space<semaphore_mem>> -> memref<1x!tpu.dma_semaphore, #tpu.memory_space<semaphore_mem>>
        %dma_start3A_327 = tpu.memref_squeeze %dma_start3A_326 : memref<1x!tpu.dma_semaphore, #tpu.memory_space<semaphore_mem>> -> memref<!tpu.dma_semaphore, #tpu.memory_space<semaphore_mem>>
        %dma_start3A_328 = arith.constant 0 : i32
        %dma_start3A_329 = arith.constant 0 : i32
        %dma_start3A_330 = tpu.memref_slice %arg11[%dma_start3A_316, %dma_start3A_328, %dma_start3A_329] : memref<2x128x128xf32, #tpu.memory_space<vmem>> -> memref<1x128x128xf32, #tpu.memory_space<vmem>>
        %dma_start3A_331 = tpu.memref_squeeze %dma_start3A_330 : memref<1x128x128xf32, #tpu.memory_space<vmem>> -> memref<128x128xf32, #tpu.memory_space<vmem>>
        %dma_start3A_332 = arith.constant 0 : i32
        %dma_start3A_333 = arith.constant 0 : i32
        %dma_start3A_334 = tpu.memref_slice %arg2[%add3A_310, %dma_start3A_332, %dma_start3A_333] : memref<2500x128x128xf32, #tpu.memory_space<hbm>> -> memref<1x128x128xf32, #tpu.memory_space<hbm>>
        %dma_start3A_335 = tpu.memref_squeeze %dma_start3A_334 : memref<1x128x128xf32, #tpu.memory_space<hbm>> -> memref<128x128xf32, #tpu.memory_space<hbm>>
        tpu.enqueue_dma source(%dma_start3A_335 : memref<128x128xf32, #tpu.memory_space<hbm>>) target(%dma_start3A_331 : memref<128x128xf32, #tpu.memory_space<vmem>>) target_semaphore(%dma_start3A_327 : memref<!tpu.dma_semaphore, #tpu.memory_space<semaphore_mem>>)
        %dma_start3A_336 = arith.constant 1 : i32
        %dma_start3A_337 = arith.constant 1 : i32
        %dma_start3A_338 = arith.constant 0 : i32
        %dma_start3A_339 = arith.constant 0 : i32
        %dma_start3A_340 = tpu.memref_slice %arg12[%dma_start3A_336, %dma_start3A_338, %dma_start3A_339] : memref<2x1x128xi32, #tpu.memory_space<vmem>> -> memref<1x1x128xi32, #tpu.memory_space<vmem>>
        %dma_start3A_341 = tpu.memref_squeeze %dma_start3A_340 : memref<1x1x128xi32, #tpu.memory_space<vmem>> -> memref<1x128xi32, #tpu.memory_space<vmem>>
        %dma_start3A_342 = arith.constant 0 : i32
        %dma_start3A_343 = arith.constant 0 : i32
        %dma_start3A_344 = tpu.memref_slice %arg3[%add3A_310, %dma_start3A_342, %dma_start3A_343] : memref<2500x1x128xi32, #tpu.memory_space<hbm>> -> memref<1x1x128xi32, #tpu.memory_space<hbm>>
        %dma_start3A_345 = tpu.memref_squeeze %dma_start3A_344 : memref<1x1x128xi32, #tpu.memory_space<hbm>> -> memref<1x128xi32, #tpu.memory_space<hbm>>
        %dma_start3A_346 = tpu.memref_slice %arg16[%dma_start3A_337] : memref<2x!tpu.dma_semaphore, #tpu.memory_space<semaphore_mem>> -> memref<1x!tpu.dma_semaphore, #tpu.memory_space<semaphore_mem>>
        %dma_start3A_347 = tpu.memref_squeeze %dma_start3A_346 : memref<1x!tpu.dma_semaphore, #tpu.memory_space<semaphore_mem>> -> memref<!tpu.dma_semaphore, #tpu.memory_space<semaphore_mem>>
        %dma_start3A_348 = arith.constant 0 : i32
        %dma_start3A_349 = arith.constant 0 : i32
        %dma_start3A_350 = tpu.memref_slice %arg12[%dma_start3A_336, %dma_start3A_348, %dma_start3A_349] : memref<2x1x128xi32, #tpu.memory_space<vmem>> -> memref<1x1x128xi32, #tpu.memory_space<vmem>>
        %dma_start3A_351 = tpu.memref_squeeze %dma_start3A_350 : memref<1x1x128xi32, #tpu.memory_space<vmem>> -> memref<1x128xi32, #tpu.memory_space<vmem>>
        %dma_start3A_352 = arith.constant 0 : i32
        %dma_start3A_353 = arith.constant 0 : i32
        %dma_start3A_354 = tpu.memref_slice %arg3[%add3A_310, %dma_start3A_352, %dma_start3A_353] : memref<2500x1x128xi32, #tpu.memory_space<hbm>> -> memref<1x1x128xi32, #tpu.memory_space<hbm>>
        %dma_start3A_355 = tpu.memref_squeeze %dma_start3A_354 : memref<1x1x128xi32, #tpu.memory_space<hbm>> -> memref<1x128xi32, #tpu.memory_space<hbm>>
        tpu.enqueue_dma source(%dma_start3A_355 : memref<1x128xi32, #tpu.memory_space<hbm>>) target(%dma_start3A_351 : memref<1x128xi32, #tpu.memory_space<vmem>>) target_semaphore(%dma_start3A_347 : memref<!tpu.dma_semaphore, #tpu.memory_space<semaphore_mem>>)
      } else {
      }
    }
    %scan3A_42 = arith.constant 40 : i32
    %barrier3A_43 = arith.constant 0 : index
    tpu.barrier barrier_id(%barrier3A_43)
    %mul3A_44 = arith.constant 640 : i32
    %mul3A_45 = arith.muli %arg1, %mul3A_44 : i32
    %add3A_46 = arith.constant 0 : i32
    %add3A_47 = arith.addi %mul3A_45, %add3A_46 : i32
    %run_scoped3A_48 = arith.constant 0 : i32
    "tpu.region"() ({
      %run_scoped3A_271 = tpu.sem_alloc : memref<!tpu.dma_semaphore, #tpu.memory_space<semaphore_mem>>
      %dma_start3A_272 = arith.constant 0 : i32
      %dma_start3A_273 = arith.constant 0 : i32
      %dma_start3A_274 = tpu.memref_slice %arg11[%run_scoped3A_48, %dma_start3A_272, %dma_start3A_273] : memref<2x128x128xf32, #tpu.memory_space<vmem>> -> memref<1x128x128xf32, #tpu.memory_space<vmem>>
      %dma_start3A_275 = tpu.memref_squeeze %dma_start3A_274 : memref<1x128x128xf32, #tpu.memory_space<vmem>> -> memref<128x128xf32, #tpu.memory_space<vmem>>
      %dma_start3A_276 = arith.constant 0 : i32
      %dma_start3A_277 = tpu.memref_slice %arg9[%add3A_47, %dma_start3A_276] : memref<10240x128xf32, #tpu.memory_space<vmem_shared>> -> memref<128x128xf32, #tpu.memory_space<vmem_shared>>
      %dma_start3A_278 = arith.constant 0 : i32
      %dma_start3A_279 = arith.constant 0 : i32
      %dma_start3A_280 = tpu.memref_slice %arg11[%run_scoped3A_48, %dma_start3A_278, %dma_start3A_279] : memref<2x128x128xf32, #tpu.memory_space<vmem>> -> memref<1x128x128xf32, #tpu.memory_space<vmem>>
      %dma_start3A_281 = tpu.memref_squeeze %dma_start3A_280 : memref<1x128x128xf32, #tpu.memory_space<vmem>> -> memref<128x128xf32, #tpu.memory_space<vmem>>
      %dma_start3A_282 = arith.constant 0 : i32
      %dma_start3A_283 = tpu.memref_slice %arg9[%add3A_47, %dma_start3A_282] : memref<10240x128xf32, #tpu.memory_space<vmem_shared>> -> memref<128x128xf32, #tpu.memory_space<vmem_shared>>
      tpu.enqueue_dma source(%dma_start3A_283 : memref<128x128xf32, #tpu.memory_space<vmem_shared>>) target(%dma_start3A_281 : memref<128x128xf32, #tpu.memory_space<vmem>>) target_semaphore(%run_scoped3A_271 : memref<!tpu.dma_semaphore, #tpu.memory_space<semaphore_mem>>)
      %dma_wait3A_284 = arith.constant 0 : i32
      %dma_wait3A_285 = arith.constant 0 : i32
      %dma_wait3A_286 = tpu.memref_slice %arg11[%run_scoped3A_48, %dma_wait3A_284, %dma_wait3A_285] : memref<2x128x128xf32, #tpu.memory_space<vmem>> -> memref<1x128x128xf32, #tpu.memory_space<vmem>>
      %dma_wait3A_287 = tpu.memref_squeeze %dma_wait3A_286 : memref<1x128x128xf32, #tpu.memory_space<vmem>> -> memref<128x128xf32, #tpu.memory_space<vmem>>
      %dma_wait3A_288 = arith.constant 0 : i32
      %dma_wait3A_289 = tpu.memref_slice %arg9[%add3A_47, %dma_wait3A_288] : memref<10240x128xf32, #tpu.memory_space<vmem_shared>> -> memref<128x128xf32, #tpu.memory_space<vmem_shared>>
      %dma_wait3A_290 = arith.constant 0 : i32
      %dma_wait3A_291 = arith.constant 0 : i32
      %dma_wait3A_292 = tpu.memref_slice %arg11[%run_scoped3A_48, %dma_wait3A_290, %dma_wait3A_291] : memref<2x128x128xf32, #tpu.memory_space<vmem>> -> memref<1x128x128xf32, #tpu.memory_space<vmem>>
      %dma_wait3A_293 = tpu.memref_squeeze %dma_wait3A_292 : memref<1x128x128xf32, #tpu.memory_space<vmem>> -> memref<128x128xf32, #tpu.memory_space<vmem>>
      %dma_wait3A_294 = arith.constant 0 : i32
      %dma_wait3A_295 = tpu.memref_slice %arg9[%add3A_47, %dma_wait3A_294] : memref<10240x128xf32, #tpu.memory_space<vmem_shared>> -> memref<128x128xf32, #tpu.memory_space<vmem_shared>>
      tpu.wait_dma2 semaphore(%run_scoped3A_271 : memref<!tpu.dma_semaphore, #tpu.memory_space<semaphore_mem>>) src(%dma_wait3A_295 : memref<128x128xf32, #tpu.memory_space<vmem_shared>>) dst(%dma_wait3A_293 : memref<128x128xf32, #tpu.memory_space<vmem>>)
      tpu.yield
    }) : () -> ()
    %dma_start3A = arith.constant 0 : i32
    %dma_start3A_49 = arith.constant 0 : i32
    %dma_start3A_50 = arith.constant 0 : i32
    %dma_start3A_51 = arith.constant 0 : i32
    %dma_start3A_52 = tpu.memref_slice %arg11[%dma_start3A, %dma_start3A_50, %dma_start3A_51] : memref<2x128x128xf32, #tpu.memory_space<vmem>> -> memref<1x128x128xf32, #tpu.memory_space<vmem>>
    %dma_start3A_53 = tpu.memref_squeeze %dma_start3A_52 : memref<1x128x128xf32, #tpu.memory_space<vmem>> -> memref<128x128xf32, #tpu.memory_space<vmem>>
    %dma_start3A_54 = arith.constant 0 : i32
    %dma_start3A_55 = tpu.memref_slice %arg7[%arg0, %add3A_47, %dma_start3A_54] : memref<2x10240x128xf32, #tpu.memory_space<hbm>> -> memref<1x128x128xf32, #tpu.memory_space<hbm>>
    %dma_start3A_56 = tpu.memref_squeeze %dma_start3A_55 : memref<1x128x128xf32, #tpu.memory_space<hbm>> -> memref<128x128xf32, #tpu.memory_space<hbm>>
    %dma_start3A_57 = tpu.memref_slice %arg15[%dma_start3A_49] : memref<2x!tpu.dma_semaphore, #tpu.memory_space<semaphore_mem>> -> memref<1x!tpu.dma_semaphore, #tpu.memory_space<semaphore_mem>>
    %dma_start3A_58 = tpu.memref_squeeze %dma_start3A_57 : memref<1x!tpu.dma_semaphore, #tpu.memory_space<semaphore_mem>> -> memref<!tpu.dma_semaphore, #tpu.memory_space<semaphore_mem>>
    %dma_start3A_59 = arith.constant 0 : i32
    %dma_start3A_60 = tpu.memref_slice %arg7[%arg0, %add3A_47, %dma_start3A_59] : memref<2x10240x128xf32, #tpu.memory_space<hbm>> -> memref<1x128x128xf32, #tpu.memory_space<hbm>>
    %dma_start3A_61 = tpu.memref_squeeze %dma_start3A_60 : memref<1x128x128xf32, #tpu.memory_space<hbm>> -> memref<128x128xf32, #tpu.memory_space<hbm>>
    %dma_start3A_62 = arith.constant 0 : i32
    %dma_start3A_63 = arith.constant 0 : i32
    %dma_start3A_64 = tpu.memref_slice %arg11[%dma_start3A, %dma_start3A_62, %dma_start3A_63] : memref<2x128x128xf32, #tpu.memory_space<vmem>> -> memref<1x128x128xf32, #tpu.memory_space<vmem>>
    %dma_start3A_65 = tpu.memref_squeeze %dma_start3A_64 : memref<1x128x128xf32, #tpu.memory_space<vmem>> -> memref<128x128xf32, #tpu.memory_space<vmem>>
    tpu.enqueue_dma source(%dma_start3A_65 : memref<128x128xf32, #tpu.memory_space<vmem>>) target(%dma_start3A_61 : memref<128x128xf32, #tpu.memory_space<hbm>>) target_semaphore(%dma_start3A_58 : memref<!tpu.dma_semaphore, #tpu.memory_space<semaphore_mem>>)
    %mul3A_66 = arith.constant 640 : i32
    %mul3A_67 = arith.muli %arg1, %mul3A_66 : i32
    %add3A_68 = arith.constant 128 : i32
    %add3A_69 = arith.addi %mul3A_67, %add3A_68 : i32
    %run_scoped3A_70 = arith.constant 1 : i32
    "tpu.region"() ({
      %run_scoped3A_271 = tpu.sem_alloc : memref<!tpu.dma_semaphore, #tpu.memory_space<semaphore_mem>>
      %dma_start3A_272 = arith.constant 0 : i32
      %dma_start3A_273 = arith.constant 0 : i32
      %dma_start3A_274 = tpu.memref_slice %arg11[%run_scoped3A_70, %dma_start3A_272, %dma_start3A_273] : memref<2x128x128xf32, #tpu.memory_space<vmem>> -> memref<1x128x128xf32, #tpu.memory_space<vmem>>
      %dma_start3A_275 = tpu.memref_squeeze %dma_start3A_274 : memref<1x128x128xf32, #tpu.memory_space<vmem>> -> memref<128x128xf32, #tpu.memory_space<vmem>>
      %dma_start3A_276 = arith.constant 0 : i32
      %dma_start3A_277 = tpu.memref_slice %arg9[%add3A_69, %dma_start3A_276] : memref<10240x128xf32, #tpu.memory_space<vmem_shared>> -> memref<128x128xf32, #tpu.memory_space<vmem_shared>>
      %dma_start3A_278 = arith.constant 0 : i32
      %dma_start3A_279 = arith.constant 0 : i32
      %dma_start3A_280 = tpu.memref_slice %arg11[%run_scoped3A_70, %dma_start3A_278, %dma_start3A_279] : memref<2x128x128xf32, #tpu.memory_space<vmem>> -> memref<1x128x128xf32, #tpu.memory_space<vmem>>
      %dma_start3A_281 = tpu.memref_squeeze %dma_start3A_280 : memref<1x128x128xf32, #tpu.memory_space<vmem>> -> memref<128x128xf32, #tpu.memory_space<vmem>>
      %dma_start3A_282 = arith.constant 0 : i32
      %dma_start3A_283 = tpu.memref_slice %arg9[%add3A_69, %dma_start3A_282] : memref<10240x128xf32, #tpu.memory_space<vmem_shared>> -> memref<128x128xf32, #tpu.memory_space<vmem_shared>>
      tpu.enqueue_dma source(%dma_start3A_283 : memref<128x128xf32, #tpu.memory_space<vmem_shared>>) target(%dma_start3A_281 : memref<128x128xf32, #tpu.memory_space<vmem>>) target_semaphore(%run_scoped3A_271 : memref<!tpu.dma_semaphore, #tpu.memory_space<semaphore_mem>>)
      %dma_wait3A_284 = arith.constant 0 : i32
      %dma_wait3A_285 = arith.constant 0 : i32
      %dma_wait3A_286 = tpu.memref_slice %arg11[%run_scoped3A_70, %dma_wait3A_284, %dma_wait3A_285] : memref<2x128x128xf32, #tpu.memory_space<vmem>> -> memref<1x128x128xf32, #tpu.memory_space<vmem>>
      %dma_wait3A_287 = tpu.memref_squeeze %dma_wait3A_286 : memref<1x128x128xf32, #tpu.memory_space<vmem>> -> memref<128x128xf32, #tpu.memory_space<vmem>>
      %dma_wait3A_288 = arith.constant 0 : i32
      %dma_wait3A_289 = tpu.memref_slice %arg9[%add3A_69, %dma_wait3A_288] : memref<10240x128xf32, #tpu.memory_space<vmem_shared>> -> memref<128x128xf32, #tpu.memory_space<vmem_shared>>
      %dma_wait3A_290 = arith.constant 0 : i32
      %dma_wait3A_291 = arith.constant 0 : i32
      %dma_wait3A_292 = tpu.memref_slice %arg11[%run_scoped3A_70, %dma_wait3A_290, %dma_wait3A_291] : memref<2x128x128xf32, #tpu.memory_space<vmem>> -> memref<1x128x128xf32, #tpu.memory_space<vmem>>
      %dma_wait3A_293 = tpu.memref_squeeze %dma_wait3A_292 : memref<1x128x128xf32, #tpu.memory_space<vmem>> -> memref<128x128xf32, #tpu.memory_space<vmem>>
      %dma_wait3A_294 = arith.constant 0 : i32
      %dma_wait3A_295 = tpu.memref_slice %arg9[%add3A_69, %dma_wait3A_294] : memref<10240x128xf32, #tpu.memory_space<vmem_shared>> -> memref<128x128xf32, #tpu.memory_space<vmem_shared>>
      tpu.wait_dma2 semaphore(%run_scoped3A_271 : memref<!tpu.dma_semaphore, #tpu.memory_space<semaphore_mem>>) src(%dma_wait3A_295 : memref<128x128xf32, #tpu.memory_space<vmem_shared>>) dst(%dma_wait3A_293 : memref<128x128xf32, #tpu.memory_space<vmem>>)
      tpu.yield
    }) : () -> ()
    %dma_start3A_71 = arith.constant 1 : i32
    %dma_start3A_72 = arith.constant 1 : i32
    %dma_start3A_73 = arith.constant 0 : i32
    %dma_start3A_74 = arith.constant 0 : i32
    %dma_start3A_75 = tpu.memref_slice %arg11[%dma_start3A_71, %dma_start3A_73, %dma_start3A_74] : memref<2x128x128xf32, #tpu.memory_space<vmem>> -> memref<1x128x128xf32, #tpu.memory_space<vmem>>
    %dma_start3A_76 = tpu.memref_squeeze %dma_start3A_75 : memref<1x128x128xf32, #tpu.memory_space<vmem>> -> memref<128x128xf32, #tpu.memory_space<vmem>>
    %dma_start3A_77 = arith.constant 0 : i32
    %dma_start3A_78 = tpu.memref_slice %arg7[%arg0, %add3A_69, %dma_start3A_77] : memref<2x10240x128xf32, #tpu.memory_space<hbm>> -> memref<1x128x128xf32, #tpu.memory_space<hbm>>
    %dma_start3A_79 = tpu.memref_squeeze %dma_start3A_78 : memref<1x128x128xf32, #tpu.memory_space<hbm>> -> memref<128x128xf32, #tpu.memory_space<hbm>>
    %dma_start3A_80 = tpu.memref_slice %arg15[%dma_start3A_72] : memref<2x!tpu.dma_semaphore, #tpu.memory_space<semaphore_mem>> -> memref<1x!tpu.dma_semaphore, #tpu.memory_space<semaphore_mem>>
    %dma_start3A_81 = tpu.memref_squeeze %dma_start3A_80 : memref<1x!tpu.dma_semaphore, #tpu.memory_space<semaphore_mem>> -> memref<!tpu.dma_semaphore, #tpu.memory_space<semaphore_mem>>
    %dma_start3A_82 = arith.constant 0 : i32
    %dma_start3A_83 = tpu.memref_slice %arg7[%arg0, %add3A_69, %dma_start3A_82] : memref<2x10240x128xf32, #tpu.memory_space<hbm>> -> memref<1x128x128xf32, #tpu.memory_space<hbm>>
    %dma_start3A_84 = tpu.memref_squeeze %dma_start3A_83 : memref<1x128x128xf32, #tpu.memory_space<hbm>> -> memref<128x128xf32, #tpu.memory_space<hbm>>
    %dma_start3A_85 = arith.constant 0 : i32
    %dma_start3A_86 = arith.constant 0 : i32
    %dma_start3A_87 = tpu.memref_slice %arg11[%dma_start3A_71, %dma_start3A_85, %dma_start3A_86] : memref<2x128x128xf32, #tpu.memory_space<vmem>> -> memref<1x128x128xf32, #tpu.memory_space<vmem>>
    %dma_start3A_88 = tpu.memref_squeeze %dma_start3A_87 : memref<1x128x128xf32, #tpu.memory_space<vmem>> -> memref<128x128xf32, #tpu.memory_space<vmem>>
    tpu.enqueue_dma source(%dma_start3A_88 : memref<128x128xf32, #tpu.memory_space<vmem>>) target(%dma_start3A_84 : memref<128x128xf32, #tpu.memory_space<hbm>>) target_semaphore(%dma_start3A_81 : memref<!tpu.dma_semaphore, #tpu.memory_space<semaphore_mem>>)
    %mul3A_89 = arith.constant 640 : i32
    %mul3A_90 = arith.muli %arg1, %mul3A_89 : i32
    %add3A_91 = arith.constant 256 : i32
    %add3A_92 = arith.addi %mul3A_90, %add3A_91 : i32
    %mul3A_93 = arith.constant 640 : i32
    %mul3A_94 = arith.muli %arg1, %mul3A_93 : i32
    %add3A_95 = arith.constant 0 : i32
    %add3A_96 = arith.addi %mul3A_94, %add3A_95 : i32
    %dma_wait3A = arith.constant 0 : i32
    %dma_wait3A_97 = arith.constant 0 : i32
    %dma_wait3A_98 = arith.constant 0 : i32
    %dma_wait3A_99 = arith.constant 0 : i32
    %dma_wait3A_100 = tpu.memref_slice %arg11[%dma_wait3A, %dma_wait3A_98, %dma_wait3A_99] : memref<2x128x128xf32, #tpu.memory_space<vmem>> -> memref<1x128x128xf32, #tpu.memory_space<vmem>>
    %dma_wait3A_101 = tpu.memref_squeeze %dma_wait3A_100 : memref<1x128x128xf32, #tpu.memory_space<vmem>> -> memref<128x128xf32, #tpu.memory_space<vmem>>
    %dma_wait3A_102 = arith.constant 0 : i32
    %dma_wait3A_103 = tpu.memref_slice %arg7[%arg0, %add3A_96, %dma_wait3A_102] : memref<2x10240x128xf32, #tpu.memory_space<hbm>> -> memref<1x128x128xf32, #tpu.memory_space<hbm>>
    %dma_wait3A_104 = tpu.memref_squeeze %dma_wait3A_103 : memref<1x128x128xf32, #tpu.memory_space<hbm>> -> memref<128x128xf32, #tpu.memory_space<hbm>>
    %dma_wait3A_105 = tpu.memref_slice %arg15[%dma_wait3A_97] : memref<2x!tpu.dma_semaphore, #tpu.memory_space<semaphore_mem>> -> memref<1x!tpu.dma_semaphore, #tpu.memory_space<semaphore_mem>>
    %dma_wait3A_106 = tpu.memref_squeeze %dma_wait3A_105 : memref<1x!tpu.dma_semaphore, #tpu.memory_space<semaphore_mem>> -> memref<!tpu.dma_semaphore, #tpu.memory_space<semaphore_mem>>
    %dma_wait3A_107 = arith.constant 0 : i32
    %dma_wait3A_108 = tpu.memref_slice %arg7[%arg0, %add3A_96, %dma_wait3A_107] : memref<2x10240x128xf32, #tpu.memory_space<hbm>> -> memref<1x128x128xf32, #tpu.memory_space<hbm>>
    %dma_wait3A_109 = tpu.memref_squeeze %dma_wait3A_108 : memref<1x128x128xf32, #tpu.memory_space<hbm>> -> memref<128x128xf32, #tpu.memory_space<hbm>>
    %dma_wait3A_110 = arith.constant 0 : i32
    %dma_wait3A_111 = arith.constant 0 : i32
    %dma_wait3A_112 = tpu.memref_slice %arg11[%dma_wait3A, %dma_wait3A_110, %dma_wait3A_111] : memref<2x128x128xf32, #tpu.memory_space<vmem>> -> memref<1x128x128xf32, #tpu.memory_space<vmem>>
    %dma_wait3A_113 = tpu.memref_squeeze %dma_wait3A_112 : memref<1x128x128xf32, #tpu.memory_space<vmem>> -> memref<128x128xf32, #tpu.memory_space<vmem>>
    tpu.wait_dma2 semaphore(%dma_wait3A_106 : memref<!tpu.dma_semaphore, #tpu.memory_space<semaphore_mem>>) src(%dma_wait3A_113 : memref<128x128xf32, #tpu.memory_space<vmem>>) dst(%dma_wait3A_109 : memref<128x128xf32, #tpu.memory_space<hbm>>)
    %run_scoped3A_114 = arith.constant 0 : i32
    "tpu.region"() ({
      %run_scoped3A_271 = tpu.sem_alloc : memref<!tpu.dma_semaphore, #tpu.memory_space<semaphore_mem>>
      %dma_start3A_272 = arith.constant 0 : i32
      %dma_start3A_273 = arith.constant 0 : i32
      %dma_start3A_274 = tpu.memref_slice %arg11[%run_scoped3A_114, %dma_start3A_272, %dma_start3A_273] : memref<2x128x128xf32, #tpu.memory_space<vmem>> -> memref<1x128x128xf32, #tpu.memory_space<vmem>>
      %dma_start3A_275 = tpu.memref_squeeze %dma_start3A_274 : memref<1x128x128xf32, #tpu.memory_space<vmem>> -> memref<128x128xf32, #tpu.memory_space<vmem>>
      %dma_start3A_276 = arith.constant 0 : i32
      %dma_start3A_277 = tpu.memref_slice %arg9[%add3A_92, %dma_start3A_276] : memref<10240x128xf32, #tpu.memory_space<vmem_shared>> -> memref<128x128xf32, #tpu.memory_space<vmem_shared>>
      %dma_start3A_278 = arith.constant 0 : i32
      %dma_start3A_279 = arith.constant 0 : i32
      %dma_start3A_280 = tpu.memref_slice %arg11[%run_scoped3A_114, %dma_start3A_278, %dma_start3A_279] : memref<2x128x128xf32, #tpu.memory_space<vmem>> -> memref<1x128x128xf32, #tpu.memory_space<vmem>>
      %dma_start3A_281 = tpu.memref_squeeze %dma_start3A_280 : memref<1x128x128xf32, #tpu.memory_space<vmem>> -> memref<128x128xf32, #tpu.memory_space<vmem>>
      %dma_start3A_282 = arith.constant 0 : i32
      %dma_start3A_283 = tpu.memref_slice %arg9[%add3A_92, %dma_start3A_282] : memref<10240x128xf32, #tpu.memory_space<vmem_shared>> -> memref<128x128xf32, #tpu.memory_space<vmem_shared>>
      tpu.enqueue_dma source(%dma_start3A_283 : memref<128x128xf32, #tpu.memory_space<vmem_shared>>) target(%dma_start3A_281 : memref<128x128xf32, #tpu.memory_space<vmem>>) target_semaphore(%run_scoped3A_271 : memref<!tpu.dma_semaphore, #tpu.memory_space<semaphore_mem>>)
      %dma_wait3A_284 = arith.constant 0 : i32
      %dma_wait3A_285 = arith.constant 0 : i32
      %dma_wait3A_286 = tpu.memref_slice %arg11[%run_scoped3A_114, %dma_wait3A_284, %dma_wait3A_285] : memref<2x128x128xf32, #tpu.memory_space<vmem>> -> memref<1x128x128xf32, #tpu.memory_space<vmem>>
      %dma_wait3A_287 = tpu.memref_squeeze %dma_wait3A_286 : memref<1x128x128xf32, #tpu.memory_space<vmem>> -> memref<128x128xf32, #tpu.memory_space<vmem>>
      %dma_wait3A_288 = arith.constant 0 : i32
      %dma_wait3A_289 = tpu.memref_slice %arg9[%add3A_92, %dma_wait3A_288] : memref<10240x128xf32, #tpu.memory_space<vmem_shared>> -> memref<128x128xf32, #tpu.memory_space<vmem_shared>>
      %dma_wait3A_290 = arith.constant 0 : i32
      %dma_wait3A_291 = arith.constant 0 : i32
      %dma_wait3A_292 = tpu.memref_slice %arg11[%run_scoped3A_114, %dma_wait3A_290, %dma_wait3A_291] : memref<2x128x128xf32, #tpu.memory_space<vmem>> -> memref<1x128x128xf32, #tpu.memory_space<vmem>>
      %dma_wait3A_293 = tpu.memref_squeeze %dma_wait3A_292 : memref<1x128x128xf32, #tpu.memory_space<vmem>> -> memref<128x128xf32, #tpu.memory_space<vmem>>
      %dma_wait3A_294 = arith.constant 0 : i32
      %dma_wait3A_295 = tpu.memref_slice %arg9[%add3A_92, %dma_wait3A_294] : memref<10240x128xf32, #tpu.memory_space<vmem_shared>> -> memref<128x128xf32, #tpu.memory_space<vmem_shared>>
      tpu.wait_dma2 semaphore(%run_scoped3A_271 : memref<!tpu.dma_semaphore, #tpu.memory_space<semaphore_mem>>) src(%dma_wait3A_295 : memref<128x128xf32, #tpu.memory_space<vmem_shared>>) dst(%dma_wait3A_293 : memref<128x128xf32, #tpu.memory_space<vmem>>)
      tpu.yield
    }) : () -> ()
    %dma_start3A_115 = arith.constant 0 : i32
    %dma_start3A_116 = arith.constant 0 : i32
    %dma_start3A_117 = arith.constant 0 : i32
    %dma_start3A_118 = arith.constant 0 : i32
    %dma_start3A_119 = tpu.memref_slice %arg11[%dma_start3A_115, %dma_start3A_117, %dma_start3A_118] : memref<2x128x128xf32, #tpu.memory_space<vmem>> -> memref<1x128x128xf32, #tpu.memory_space<vmem>>
    %dma_start3A_120 = tpu.memref_squeeze %dma_start3A_119 : memref<1x128x128xf32, #tpu.memory_space<vmem>> -> memref<128x128xf32, #tpu.memory_space<vmem>>
    %dma_start3A_121 = arith.constant 0 : i32
    %dma_start3A_122 = tpu.memref_slice %arg7[%arg0, %add3A_92, %dma_start3A_121] : memref<2x10240x128xf32, #tpu.memory_space<hbm>> -> memref<1x128x128xf32, #tpu.memory_space<hbm>>
    %dma_start3A_123 = tpu.memref_squeeze %dma_start3A_122 : memref<1x128x128xf32, #tpu.memory_space<hbm>> -> memref<128x128xf32, #tpu.memory_space<hbm>>
    %dma_start3A_124 = tpu.memref_slice %arg15[%dma_start3A_116] : memref<2x!tpu.dma_semaphore, #tpu.memory_space<semaphore_mem>> -> memref<1x!tpu.dma_semaphore, #tpu.memory_space<semaphore_mem>>
    %dma_start3A_125 = tpu.memref_squeeze %dma_start3A_124 : memref<1x!tpu.dma_semaphore, #tpu.memory_space<semaphore_mem>> -> memref<!tpu.dma_semaphore, #tpu.memory_space<semaphore_mem>>
    %dma_start3A_126 = arith.constant 0 : i32
    %dma_start3A_127 = tpu.memref_slice %arg7[%arg0, %add3A_92, %dma_start3A_126] : memref<2x10240x128xf32, #tpu.memory_space<hbm>> -> memref<1x128x128xf32, #tpu.memory_space<hbm>>
    %dma_start3A_128 = tpu.memref_squeeze %dma_start3A_127 : memref<1x128x128xf32, #tpu.memory_space<hbm>> -> memref<128x128xf32, #tpu.memory_space<hbm>>
    %dma_start3A_129 = arith.constant 0 : i32
    %dma_start3A_130 = arith.constant 0 : i32
    %dma_start3A_131 = tpu.memref_slice %arg11[%dma_start3A_115, %dma_start3A_129, %dma_start3A_130] : memref<2x128x128xf32, #tpu.memory_space<vmem>> -> memref<1x128x128xf32, #tpu.memory_space<vmem>>
    %dma_start3A_132 = tpu.memref_squeeze %dma_start3A_131 : memref<1x128x128xf32, #tpu.memory_space<vmem>> -> memref<128x128xf32, #tpu.memory_space<vmem>>
    tpu.enqueue_dma source(%dma_start3A_132 : memref<128x128xf32, #tpu.memory_space<vmem>>) target(%dma_start3A_128 : memref<128x128xf32, #tpu.memory_space<hbm>>) target_semaphore(%dma_start3A_125 : memref<!tpu.dma_semaphore, #tpu.memory_space<semaphore_mem>>)
    %mul3A_133 = arith.constant 640 : i32
    %mul3A_134 = arith.muli %arg1, %mul3A_133 : i32
    %add3A_135 = arith.constant 384 : i32
    %add3A_136 = arith.addi %mul3A_134, %add3A_135 : i32
    %mul3A_137 = arith.constant 640 : i32
    %mul3A_138 = arith.muli %arg1, %mul3A_137 : i32
    %add3A_139 = arith.constant 128 : i32
    %add3A_140 = arith.addi %mul3A_138, %add3A_139 : i32
    %dma_wait3A_141 = arith.constant 1 : i32
    %dma_wait3A_142 = arith.constant 1 : i32
    %dma_wait3A_143 = arith.constant 0 : i32
    %dma_wait3A_144 = arith.constant 0 : i32
    %dma_wait3A_145 = tpu.memref_slice %arg11[%dma_wait3A_141, %dma_wait3A_143, %dma_wait3A_144] : memref<2x128x128xf32, #tpu.memory_space<vmem>> -> memref<1x128x128xf32, #tpu.memory_space<vmem>>
    %dma_wait3A_146 = tpu.memref_squeeze %dma_wait3A_145 : memref<1x128x128xf32, #tpu.memory_space<vmem>> -> memref<128x128xf32, #tpu.memory_space<vmem>>
    %dma_wait3A_147 = arith.constant 0 : i32
    %dma_wait3A_148 = tpu.memref_slice %arg7[%arg0, %add3A_140, %dma_wait3A_147] : memref<2x10240x128xf32, #tpu.memory_space<hbm>> -> memref<1x128x128xf32, #tpu.memory_space<hbm>>
    %dma_wait3A_149 = tpu.memref_squeeze %dma_wait3A_148 : memref<1x128x128xf32, #tpu.memory_space<hbm>> -> memref<128x128xf32, #tpu.memory_space<hbm>>
    %dma_wait3A_150 = tpu.memref_slice %arg15[%dma_wait3A_142] : memref<2x!tpu.dma_semaphore, #tpu.memory_space<semaphore_mem>> -> memref<1x!tpu.dma_semaphore, #tpu.memory_space<semaphore_mem>>
    %dma_wait3A_151 = tpu.memref_squeeze %dma_wait3A_150 : memref<1x!tpu.dma_semaphore, #tpu.memory_space<semaphore_mem>> -> memref<!tpu.dma_semaphore, #tpu.memory_space<semaphore_mem>>
    %dma_wait3A_152 = arith.constant 0 : i32
    %dma_wait3A_153 = tpu.memref_slice %arg7[%arg0, %add3A_140, %dma_wait3A_152] : memref<2x10240x128xf32, #tpu.memory_space<hbm>> -> memref<1x128x128xf32, #tpu.memory_space<hbm>>
    %dma_wait3A_154 = tpu.memref_squeeze %dma_wait3A_153 : memref<1x128x128xf32, #tpu.memory_space<hbm>> -> memref<128x128xf32, #tpu.memory_space<hbm>>
    %dma_wait3A_155 = arith.constant 0 : i32
    %dma_wait3A_156 = arith.constant 0 : i32
    %dma_wait3A_157 = tpu.memref_slice %arg11[%dma_wait3A_141, %dma_wait3A_155, %dma_wait3A_156] : memref<2x128x128xf32, #tpu.memory_space<vmem>> -> memref<1x128x128xf32, #tpu.memory_space<vmem>>
    %dma_wait3A_158 = tpu.memref_squeeze %dma_wait3A_157 : memref<1x128x128xf32, #tpu.memory_space<vmem>> -> memref<128x128xf32, #tpu.memory_space<vmem>>
    tpu.wait_dma2 semaphore(%dma_wait3A_151 : memref<!tpu.dma_semaphore, #tpu.memory_space<semaphore_mem>>) src(%dma_wait3A_158 : memref<128x128xf32, #tpu.memory_space<vmem>>) dst(%dma_wait3A_154 : memref<128x128xf32, #tpu.memory_space<hbm>>)
    %run_scoped3A_159 = arith.constant 1 : i32
    "tpu.region"() ({
      %run_scoped3A_271 = tpu.sem_alloc : memref<!tpu.dma_semaphore, #tpu.memory_space<semaphore_mem>>
      %dma_start3A_272 = arith.constant 0 : i32
      %dma_start3A_273 = arith.constant 0 : i32
      %dma_start3A_274 = tpu.memref_slice %arg11[%run_scoped3A_159, %dma_start3A_272, %dma_start3A_273] : memref<2x128x128xf32, #tpu.memory_space<vmem>> -> memref<1x128x128xf32, #tpu.memory_space<vmem>>
      %dma_start3A_275 = tpu.memref_squeeze %dma_start3A_274 : memref<1x128x128xf32, #tpu.memory_space<vmem>> -> memref<128x128xf32, #tpu.memory_space<vmem>>
      %dma_start3A_276 = arith.constant 0 : i32
      %dma_start3A_277 = tpu.memref_slice %arg9[%add3A_136, %dma_start3A_276] : memref<10240x128xf32, #tpu.memory_space<vmem_shared>> -> memref<128x128xf32, #tpu.memory_space<vmem_shared>>
      %dma_start3A_278 = arith.constant 0 : i32
      %dma_start3A_279 = arith.constant 0 : i32
      %dma_start3A_280 = tpu.memref_slice %arg11[%run_scoped3A_159, %dma_start3A_278, %dma_start3A_279] : memref<2x128x128xf32, #tpu.memory_space<vmem>> -> memref<1x128x128xf32, #tpu.memory_space<vmem>>
      %dma_start3A_281 = tpu.memref_squeeze %dma_start3A_280 : memref<1x128x128xf32, #tpu.memory_space<vmem>> -> memref<128x128xf32, #tpu.memory_space<vmem>>
      %dma_start3A_282 = arith.constant 0 : i32
      %dma_start3A_283 = tpu.memref_slice %arg9[%add3A_136, %dma_start3A_282] : memref<10240x128xf32, #tpu.memory_space<vmem_shared>> -> memref<128x128xf32, #tpu.memory_space<vmem_shared>>
      tpu.enqueue_dma source(%dma_start3A_283 : memref<128x128xf32, #tpu.memory_space<vmem_shared>>) target(%dma_start3A_281 : memref<128x128xf32, #tpu.memory_space<vmem>>) target_semaphore(%run_scoped3A_271 : memref<!tpu.dma_semaphore, #tpu.memory_space<semaphore_mem>>)
      %dma_wait3A_284 = arith.constant 0 : i32
      %dma_wait3A_285 = arith.constant 0 : i32
      %dma_wait3A_286 = tpu.memref_slice %arg11[%run_scoped3A_159, %dma_wait3A_284, %dma_wait3A_285] : memref<2x128x128xf32, #tpu.memory_space<vmem>> -> memref<1x128x128xf32, #tpu.memory_space<vmem>>
      %dma_wait3A_287 = tpu.memref_squeeze %dma_wait3A_286 : memref<1x128x128xf32, #tpu.memory_space<vmem>> -> memref<128x128xf32, #tpu.memory_space<vmem>>
      %dma_wait3A_288 = arith.constant 0 : i32
      %dma_wait3A_289 = tpu.memref_slice %arg9[%add3A_136, %dma_wait3A_288] : memref<10240x128xf32, #tpu.memory_space<vmem_shared>> -> memref<128x128xf32, #tpu.memory_space<vmem_shared>>
      %dma_wait3A_290 = arith.constant 0 : i32
      %dma_wait3A_291 = arith.constant 0 : i32
      %dma_wait3A_292 = tpu.memref_slice %arg11[%run_scoped3A_159, %dma_wait3A_290, %dma_wait3A_291] : memref<2x128x128xf32, #tpu.memory_space<vmem>> -> memref<1x128x128xf32, #tpu.memory_space<vmem>>
      %dma_wait3A_293 = tpu.memref_squeeze %dma_wait3A_292 : memref<1x128x128xf32, #tpu.memory_space<vmem>> -> memref<128x128xf32, #tpu.memory_space<vmem>>
      %dma_wait3A_294 = arith.constant 0 : i32
      %dma_wait3A_295 = tpu.memref_slice %arg9[%add3A_136, %dma_wait3A_294] : memref<10240x128xf32, #tpu.memory_space<vmem_shared>> -> memref<128x128xf32, #tpu.memory_space<vmem_shared>>
      tpu.wait_dma2 semaphore(%run_scoped3A_271 : memref<!tpu.dma_semaphore, #tpu.memory_space<semaphore_mem>>) src(%dma_wait3A_295 : memref<128x128xf32, #tpu.memory_space<vmem_shared>>) dst(%dma_wait3A_293 : memref<128x128xf32, #tpu.memory_space<vmem>>)
      tpu.yield
    }) : () -> ()
    %dma_start3A_160 = arith.constant 1 : i32
    %dma_start3A_161 = arith.constant 1 : i32
    %dma_start3A_162 = arith.constant 0 : i32
    %dma_start3A_163 = arith.constant 0 : i32
    %dma_start3A_164 = tpu.memref_slice %arg11[%dma_start3A_160, %dma_start3A_162, %dma_start3A_163] : memref<2x128x128xf32, #tpu.memory_space<vmem>> -> memref<1x128x128xf32, #tpu.memory_space<vmem>>
    %dma_start3A_165 = tpu.memref_squeeze %dma_start3A_164 : memref<1x128x128xf32, #tpu.memory_space<vmem>> -> memref<128x128xf32, #tpu.memory_space<vmem>>
    %dma_start3A_166 = arith.constant 0 : i32
    %dma_start3A_167 = tpu.memref_slice %arg7[%arg0, %add3A_136, %dma_start3A_166] : memref<2x10240x128xf32, #tpu.memory_space<hbm>> -> memref<1x128x128xf32, #tpu.memory_space<hbm>>
    %dma_start3A_168 = tpu.memref_squeeze %dma_start3A_167 : memref<1x128x128xf32, #tpu.memory_space<hbm>> -> memref<128x128xf32, #tpu.memory_space<hbm>>
    %dma_start3A_169 = tpu.memref_slice %arg15[%dma_start3A_161] : memref<2x!tpu.dma_semaphore, #tpu.memory_space<semaphore_mem>> -> memref<1x!tpu.dma_semaphore, #tpu.memory_space<semaphore_mem>>
    %dma_start3A_170 = tpu.memref_squeeze %dma_start3A_169 : memref<1x!tpu.dma_semaphore, #tpu.memory_space<semaphore_mem>> -> memref<!tpu.dma_semaphore, #tpu.memory_space<semaphore_mem>>
    %dma_start3A_171 = arith.constant 0 : i32
    %dma_start3A_172 = tpu.memref_slice %arg7[%arg0, %add3A_136, %dma_start3A_171] : memref<2x10240x128xf32, #tpu.memory_space<hbm>> -> memref<1x128x128xf32, #tpu.memory_space<hbm>>
    %dma_start3A_173 = tpu.memref_squeeze %dma_start3A_172 : memref<1x128x128xf32, #tpu.memory_space<hbm>> -> memref<128x128xf32, #tpu.memory_space<hbm>>
    %dma_start3A_174 = arith.constant 0 : i32
    %dma_start3A_175 = arith.constant 0 : i32
    %dma_start3A_176 = tpu.memref_slice %arg11[%dma_start3A_160, %dma_start3A_174, %dma_start3A_175] : memref<2x128x128xf32, #tpu.memory_space<vmem>> -> memref<1x128x128xf32, #tpu.memory_space<vmem>>
    %dma_start3A_177 = tpu.memref_squeeze %dma_start3A_176 : memref<1x128x128xf32, #tpu.memory_space<vmem>> -> memref<128x128xf32, #tpu.memory_space<vmem>>
    tpu.enqueue_dma source(%dma_start3A_177 : memref<128x128xf32, #tpu.memory_space<vmem>>) target(%dma_start3A_173 : memref<128x128xf32, #tpu.memory_space<hbm>>) target_semaphore(%dma_start3A_170 : memref<!tpu.dma_semaphore, #tpu.memory_space<semaphore_mem>>)
    %mul3A_178 = arith.constant 640 : i32
    %mul3A_179 = arith.muli %arg1, %mul3A_178 : i32
    %add3A_180 = arith.constant 512 : i32
    %add3A_181 = arith.addi %mul3A_179, %add3A_180 : i32
    %mul3A_182 = arith.constant 640 : i32
    %mul3A_183 = arith.muli %arg1, %mul3A_182 : i32
    %add3A_184 = arith.constant 256 : i32
    %add3A_185 = arith.addi %mul3A_183, %add3A_184 : i32
    %dma_wait3A_186 = arith.constant 0 : i32
    %dma_wait3A_187 = arith.constant 0 : i32
    %dma_wait3A_188 = arith.constant 0 : i32
    %dma_wait3A_189 = arith.constant 0 : i32
    %dma_wait3A_190 = tpu.memref_slice %arg11[%dma_wait3A_186, %dma_wait3A_188, %dma_wait3A_189] : memref<2x128x128xf32, #tpu.memory_space<vmem>> -> memref<1x128x128xf32, #tpu.memory_space<vmem>>
    %dma_wait3A_191 = tpu.memref_squeeze %dma_wait3A_190 : memref<1x128x128xf32, #tpu.memory_space<vmem>> -> memref<128x128xf32, #tpu.memory_space<vmem>>
    %dma_wait3A_192 = arith.constant 0 : i32
    %dma_wait3A_193 = tpu.memref_slice %arg7[%arg0, %add3A_185, %dma_wait3A_192] : memref<2x10240x128xf32, #tpu.memory_space<hbm>> -> memref<1x128x128xf32, #tpu.memory_space<hbm>>
    %dma_wait3A_194 = tpu.memref_squeeze %dma_wait3A_193 : memref<1x128x128xf32, #tpu.memory_space<hbm>> -> memref<128x128xf32, #tpu.memory_space<hbm>>
    %dma_wait3A_195 = tpu.memref_slice %arg15[%dma_wait3A_187] : memref<2x!tpu.dma_semaphore, #tpu.memory_space<semaphore_mem>> -> memref<1x!tpu.dma_semaphore, #tpu.memory_space<semaphore_mem>>
    %dma_wait3A_196 = tpu.memref_squeeze %dma_wait3A_195 : memref<1x!tpu.dma_semaphore, #tpu.memory_space<semaphore_mem>> -> memref<!tpu.dma_semaphore, #tpu.memory_space<semaphore_mem>>
    %dma_wait3A_197 = arith.constant 0 : i32
    %dma_wait3A_198 = tpu.memref_slice %arg7[%arg0, %add3A_185, %dma_wait3A_197] : memref<2x10240x128xf32, #tpu.memory_space<hbm>> -> memref<1x128x128xf32, #tpu.memory_space<hbm>>
    %dma_wait3A_199 = tpu.memref_squeeze %dma_wait3A_198 : memref<1x128x128xf32, #tpu.memory_space<hbm>> -> memref<128x128xf32, #tpu.memory_space<hbm>>
    %dma_wait3A_200 = arith.constant 0 : i32
    %dma_wait3A_201 = arith.constant 0 : i32
    %dma_wait3A_202 = tpu.memref_slice %arg11[%dma_wait3A_186, %dma_wait3A_200, %dma_wait3A_201] : memref<2x128x128xf32, #tpu.memory_space<vmem>> -> memref<1x128x128xf32, #tpu.memory_space<vmem>>
    %dma_wait3A_203 = tpu.memref_squeeze %dma_wait3A_202 : memref<1x128x128xf32, #tpu.memory_space<vmem>> -> memref<128x128xf32, #tpu.memory_space<vmem>>
    tpu.wait_dma2 semaphore(%dma_wait3A_196 : memref<!tpu.dma_semaphore, #tpu.memory_space<semaphore_mem>>) src(%dma_wait3A_203 : memref<128x128xf32, #tpu.memory_space<vmem>>) dst(%dma_wait3A_199 : memref<128x128xf32, #tpu.memory_space<hbm>>)
    %run_scoped3A_204 = arith.constant 0 : i32
    "tpu.region"() ({
      %run_scoped3A_271 = tpu.sem_alloc : memref<!tpu.dma_semaphore, #tpu.memory_space<semaphore_mem>>
      %dma_start3A_272 = arith.constant 0 : i32
      %dma_start3A_273 = arith.constant 0 : i32
      %dma_start3A_274 = tpu.memref_slice %arg11[%run_scoped3A_204, %dma_start3A_272, %dma_start3A_273] : memref<2x128x128xf32, #tpu.memory_space<vmem>> -> memref<1x128x128xf32, #tpu.memory_space<vmem>>
      %dma_start3A_275 = tpu.memref_squeeze %dma_start3A_274 : memref<1x128x128xf32, #tpu.memory_space<vmem>> -> memref<128x128xf32, #tpu.memory_space<vmem>>
      %dma_start3A_276 = arith.constant 0 : i32
      %dma_start3A_277 = tpu.memref_slice %arg9[%add3A_181, %dma_start3A_276] : memref<10240x128xf32, #tpu.memory_space<vmem_shared>> -> memref<128x128xf32, #tpu.memory_space<vmem_shared>>
      %dma_start3A_278 = arith.constant 0 : i32
      %dma_start3A_279 = arith.constant 0 : i32
      %dma_start3A_280 = tpu.memref_slice %arg11[%run_scoped3A_204, %dma_start3A_278, %dma_start3A_279] : memref<2x128x128xf32, #tpu.memory_space<vmem>> -> memref<1x128x128xf32, #tpu.memory_space<vmem>>
      %dma_start3A_281 = tpu.memref_squeeze %dma_start3A_280 : memref<1x128x128xf32, #tpu.memory_space<vmem>> -> memref<128x128xf32, #tpu.memory_space<vmem>>
      %dma_start3A_282 = arith.constant 0 : i32
      %dma_start3A_283 = tpu.memref_slice %arg9[%add3A_181, %dma_start3A_282] : memref<10240x128xf32, #tpu.memory_space<vmem_shared>> -> memref<128x128xf32, #tpu.memory_space<vmem_shared>>
      tpu.enqueue_dma source(%dma_start3A_283 : memref<128x128xf32, #tpu.memory_space<vmem_shared>>) target(%dma_start3A_281 : memref<128x128xf32, #tpu.memory_space<vmem>>) target_semaphore(%run_scoped3A_271 : memref<!tpu.dma_semaphore, #tpu.memory_space<semaphore_mem>>)
      %dma_wait3A_284 = arith.constant 0 : i32
      %dma_wait3A_285 = arith.constant 0 : i32
      %dma_wait3A_286 = tpu.memref_slice %arg11[%run_scoped3A_204, %dma_wait3A_284, %dma_wait3A_285] : memref<2x128x128xf32, #tpu.memory_space<vmem>> -> memref<1x128x128xf32, #tpu.memory_space<vmem>>
      %dma_wait3A_287 = tpu.memref_squeeze %dma_wait3A_286 : memref<1x128x128xf32, #tpu.memory_space<vmem>> -> memref<128x128xf32, #tpu.memory_space<vmem>>
      %dma_wait3A_288 = arith.constant 0 : i32
      %dma_wait3A_289 = tpu.memref_slice %arg9[%add3A_181, %dma_wait3A_288] : memref<10240x128xf32, #tpu.memory_space<vmem_shared>> -> memref<128x128xf32, #tpu.memory_space<vmem_shared>>
      %dma_wait3A_290 = arith.constant 0 : i32
      %dma_wait3A_291 = arith.constant 0 : i32
      %dma_wait3A_292 = tpu.memref_slice %arg11[%run_scoped3A_204, %dma_wait3A_290, %dma_wait3A_291] : memref<2x128x128xf32, #tpu.memory_space<vmem>> -> memref<1x128x128xf32, #tpu.memory_space<vmem>>
      %dma_wait3A_293 = tpu.memref_squeeze %dma_wait3A_292 : memref<1x128x128xf32, #tpu.memory_space<vmem>> -> memref<128x128xf32, #tpu.memory_space<vmem>>
      %dma_wait3A_294 = arith.constant 0 : i32
      %dma_wait3A_295 = tpu.memref_slice %arg9[%add3A_181, %dma_wait3A_294] : memref<10240x128xf32, #tpu.memory_space<vmem_shared>> -> memref<128x128xf32, #tpu.memory_space<vmem_shared>>
      tpu.wait_dma2 semaphore(%run_scoped3A_271 : memref<!tpu.dma_semaphore, #tpu.memory_space<semaphore_mem>>) src(%dma_wait3A_295 : memref<128x128xf32, #tpu.memory_space<vmem_shared>>) dst(%dma_wait3A_293 : memref<128x128xf32, #tpu.memory_space<vmem>>)
      tpu.yield
    }) : () -> ()
    %dma_start3A_205 = arith.constant 0 : i32
    %dma_start3A_206 = arith.constant 0 : i32
    %dma_start3A_207 = arith.constant 0 : i32
    %dma_start3A_208 = arith.constant 0 : i32
    %dma_start3A_209 = tpu.memref_slice %arg11[%dma_start3A_205, %dma_start3A_207, %dma_start3A_208] : memref<2x128x128xf32, #tpu.memory_space<vmem>> -> memref<1x128x128xf32, #tpu.memory_space<vmem>>
    %dma_start3A_210 = tpu.memref_squeeze %dma_start3A_209 : memref<1x128x128xf32, #tpu.memory_space<vmem>> -> memref<128x128xf32, #tpu.memory_space<vmem>>
    %dma_start3A_211 = arith.constant 0 : i32
    %dma_start3A_212 = tpu.memref_slice %arg7[%arg0, %add3A_181, %dma_start3A_211] : memref<2x10240x128xf32, #tpu.memory_space<hbm>> -> memref<1x128x128xf32, #tpu.memory_space<hbm>>
    %dma_start3A_213 = tpu.memref_squeeze %dma_start3A_212 : memref<1x128x128xf32, #tpu.memory_space<hbm>> -> memref<128x128xf32, #tpu.memory_space<hbm>>
    %dma_start3A_214 = tpu.memref_slice %arg15[%dma_start3A_206] : memref<2x!tpu.dma_semaphore, #tpu.memory_space<semaphore_mem>> -> memref<1x!tpu.dma_semaphore, #tpu.memory_space<semaphore_mem>>
    %dma_start3A_215 = tpu.memref_squeeze %dma_start3A_214 : memref<1x!tpu.dma_semaphore, #tpu.memory_space<semaphore_mem>> -> memref<!tpu.dma_semaphore, #tpu.memory_space<semaphore_mem>>
    %dma_start3A_216 = arith.constant 0 : i32
    %dma_start3A_217 = tpu.memref_slice %arg7[%arg0, %add3A_181, %dma_start3A_216] : memref<2x10240x128xf32, #tpu.memory_space<hbm>> -> memref<1x128x128xf32, #tpu.memory_space<hbm>>
    %dma_start3A_218 = tpu.memref_squeeze %dma_start3A_217 : memref<1x128x128xf32, #tpu.memory_space<hbm>> -> memref<128x128xf32, #tpu.memory_space<hbm>>
    %dma_start3A_219 = arith.constant 0 : i32
    %dma_start3A_220 = arith.constant 0 : i32
    %dma_start3A_221 = tpu.memref_slice %arg11[%dma_start3A_205, %dma_start3A_219, %dma_start3A_220] : memref<2x128x128xf32, #tpu.memory_space<vmem>> -> memref<1x128x128xf32, #tpu.memory_space<vmem>>
    %dma_start3A_222 = tpu.memref_squeeze %dma_start3A_221 : memref<1x128x128xf32, #tpu.memory_space<vmem>> -> memref<128x128xf32, #tpu.memory_space<vmem>>
    tpu.enqueue_dma source(%dma_start3A_222 : memref<128x128xf32, #tpu.memory_space<vmem>>) target(%dma_start3A_218 : memref<128x128xf32, #tpu.memory_space<hbm>>) target_semaphore(%dma_start3A_215 : memref<!tpu.dma_semaphore, #tpu.memory_space<semaphore_mem>>)
    %mul3A_223 = arith.constant 640 : i32
    %mul3A_224 = arith.muli %arg1, %mul3A_223 : i32
    "tpu.region"() ({
      %run_scoped3A_271 = tpu.sem_alloc : memref<!tpu.dma_semaphore, #tpu.memory_space<semaphore_mem>>
      %dma_start3A_272 = tpu.memref_slice %arg10[%mul3A_224] : memref<10240xf32, #tpu.memory_space<vmem_shared>> -> memref<640xf32, #tpu.memory_space<vmem_shared>>
      %dma_start3A_273 = tpu.memref_slice %arg10[%mul3A_224] : memref<10240xf32, #tpu.memory_space<vmem_shared>> -> memref<640xf32, #tpu.memory_space<vmem_shared>>
      tpu.enqueue_dma source(%dma_start3A_273 : memref<640xf32, #tpu.memory_space<vmem_shared>>) target(%arg14 : memref<640xf32, #tpu.memory_space<vmem>>) target_semaphore(%run_scoped3A_271 : memref<!tpu.dma_semaphore, #tpu.memory_space<semaphore_mem>>)
      %dma_wait3A_274 = tpu.memref_slice %arg10[%mul3A_224] : memref<10240xf32, #tpu.memory_space<vmem_shared>> -> memref<640xf32, #tpu.memory_space<vmem_shared>>
      %dma_wait3A_275 = tpu.memref_slice %arg10[%mul3A_224] : memref<10240xf32, #tpu.memory_space<vmem_shared>> -> memref<640xf32, #tpu.memory_space<vmem_shared>>
      tpu.wait_dma2 semaphore(%run_scoped3A_271 : memref<!tpu.dma_semaphore, #tpu.memory_space<semaphore_mem>>) src(%dma_wait3A_275 : memref<640xf32, #tpu.memory_space<vmem_shared>>) dst(%arg14 : memref<640xf32, #tpu.memory_space<vmem>>)
      tpu.yield
    }) : () -> ()
    %mul3A_225 = arith.constant 640 : i32
    %mul3A_226 = arith.muli %arg1, %mul3A_225 : i32
    "tpu.region"() ({
      %run_scoped3A_271 = tpu.sem_alloc : memref<!tpu.dma_semaphore, #tpu.memory_space<semaphore_mem>>
      %dma_start3A_272 = tpu.memref_slice %arg8[%arg0, %mul3A_226] : memref<2x10240xf32, #tpu.memory_space<hbm>> -> memref<1x640xf32, #tpu.memory_space<hbm>>
      %dma_start3A_273 = tpu.memref_squeeze %dma_start3A_272 : memref<1x640xf32, #tpu.memory_space<hbm>> -> memref<640xf32, #tpu.memory_space<hbm>>
      %dma_start3A_274 = tpu.memref_slice %arg8[%arg0, %mul3A_226] : memref<2x10240xf32, #tpu.memory_space<hbm>> -> memref<1x640xf32, #tpu.memory_space<hbm>>
      %dma_start3A_275 = tpu.memref_squeeze %dma_start3A_274 : memref<1x640xf32, #tpu.memory_space<hbm>> -> memref<640xf32, #tpu.memory_space<hbm>>
      tpu.enqueue_dma source(%arg14 : memref<640xf32, #tpu.memory_space<vmem>>) target(%dma_start3A_275 : memref<640xf32, #tpu.memory_space<hbm>>) target_semaphore(%run_scoped3A_271 : memref<!tpu.dma_semaphore, #tpu.memory_space<semaphore_mem>>)
      %dma_wait3A_276 = tpu.memref_slice %arg8[%arg0, %mul3A_226] : memref<2x10240xf32, #tpu.memory_space<hbm>> -> memref<1x640xf32, #tpu.memory_space<hbm>>
      %dma_wait3A_277 = tpu.memref_squeeze %dma_wait3A_276 : memref<1x640xf32, #tpu.memory_space<hbm>> -> memref<640xf32, #tpu.memory_space<hbm>>
      %dma_wait3A_278 = tpu.memref_slice %arg8[%arg0, %mul3A_226] : memref<2x10240xf32, #tpu.memory_space<hbm>> -> memref<1x640xf32, #tpu.memory_space<hbm>>
      %dma_wait3A_279 = tpu.memref_squeeze %dma_wait3A_278 : memref<1x640xf32, #tpu.memory_space<hbm>> -> memref<640xf32, #tpu.memory_space<hbm>>
      tpu.wait_dma2 semaphore(%run_scoped3A_271 : memref<!tpu.dma_semaphore, #tpu.memory_space<semaphore_mem>>) src(%arg14 : memref<640xf32, #tpu.memory_space<vmem>>) dst(%dma_wait3A_279 : memref<640xf32, #tpu.memory_space<hbm>>)
      tpu.yield
    }) : () -> ()
    %mul3A_227 = arith.constant 640 : i32
    %mul3A_228 = arith.muli %arg1, %mul3A_227 : i32
    %add3A_229 = arith.constant 384 : i32
    %add3A_230 = arith.addi %mul3A_228, %add3A_229 : i32
    %dma_wait3A_231 = arith.constant 1 : i32
    %dma_wait3A_232 = arith.constant 1 : i32
    %dma_wait3A_233 = arith.constant 0 : i32
    %dma_wait3A_234 = arith.constant 0 : i32
    %dma_wait3A_235 = tpu.memref_slice %arg11[%dma_wait3A_231, %dma_wait3A_233, %dma_wait3A_234] : memref<2x128x128xf32, #tpu.memory_space<vmem>> -> memref<1x128x128xf32, #tpu.memory_space<vmem>>
    %dma_wait3A_236 = tpu.memref_squeeze %dma_wait3A_235 : memref<1x128x128xf32, #tpu.memory_space<vmem>> -> memref<128x128xf32, #tpu.memory_space<vmem>>
    %dma_wait3A_237 = arith.constant 0 : i32
    %dma_wait3A_238 = tpu.memref_slice %arg7[%arg0, %add3A_230, %dma_wait3A_237] : memref<2x10240x128xf32, #tpu.memory_space<hbm>> -> memref<1x128x128xf32, #tpu.memory_space<hbm>>
    %dma_wait3A_239 = tpu.memref_squeeze %dma_wait3A_238 : memref<1x128x128xf32, #tpu.memory_space<hbm>> -> memref<128x128xf32, #tpu.memory_space<hbm>>
    %dma_wait3A_240 = tpu.memref_slice %arg15[%dma_wait3A_232] : memref<2x!tpu.dma_semaphore, #tpu.memory_space<semaphore_mem>> -> memref<1x!tpu.dma_semaphore, #tpu.memory_space<semaphore_mem>>
    %dma_wait3A_241 = tpu.memref_squeeze %dma_wait3A_240 : memref<1x!tpu.dma_semaphore, #tpu.memory_space<semaphore_mem>> -> memref<!tpu.dma_semaphore, #tpu.memory_space<semaphore_mem>>
    %dma_wait3A_242 = arith.constant 0 : i32
    %dma_wait3A_243 = tpu.memref_slice %arg7[%arg0, %add3A_230, %dma_wait3A_242] : memref<2x10240x128xf32, #tpu.memory_space<hbm>> -> memref<1x128x128xf32, #tpu.memory_space<hbm>>
    %dma_wait3A_244 = tpu.memref_squeeze %dma_wait3A_243 : memref<1x128x128xf32, #tpu.memory_space<hbm>> -> memref<128x128xf32, #tpu.memory_space<hbm>>
    %dma_wait3A_245 = arith.constant 0 : i32
    %dma_wait3A_246 = arith.constant 0 : i32
    %dma_wait3A_247 = tpu.memref_slice %arg11[%dma_wait3A_231, %dma_wait3A_245, %dma_wait3A_246] : memref<2x128x128xf32, #tpu.memory_space<vmem>> -> memref<1x128x128xf32, #tpu.memory_space<vmem>>
    %dma_wait3A_248 = tpu.memref_squeeze %dma_wait3A_247 : memref<1x128x128xf32, #tpu.memory_space<vmem>> -> memref<128x128xf32, #tpu.memory_space<vmem>>
    tpu.wait_dma2 semaphore(%dma_wait3A_241 : memref<!tpu.dma_semaphore, #tpu.memory_space<semaphore_mem>>) src(%dma_wait3A_248 : memref<128x128xf32, #tpu.memory_space<vmem>>) dst(%dma_wait3A_244 : memref<128x128xf32, #tpu.memory_space<hbm>>)
    %mul3A_249 = arith.constant 640 : i32
    %mul3A_250 = arith.muli %arg1, %mul3A_249 : i32
    %add3A_251 = arith.constant 512 : i32
    %add3A_252 = arith.addi %mul3A_250, %add3A_251 : i32
    %dma_wait3A_253 = arith.constant 0 : i32
    %dma_wait3A_254 = arith.constant 0 : i32
    %dma_wait3A_255 = arith.constant 0 : i32
    %dma_wait3A_256 = arith.constant 0 : i32
    %dma_wait3A_257 = tpu.memref_slice %arg11[%dma_wait3A_253, %dma_wait3A_255, %dma_wait3A_256] : memref<2x128x128xf32, #tpu.memory_space<vmem>> -> memref<1x128x128xf32, #tpu.memory_space<vmem>>
    %dma_wait3A_258 = tpu.memref_squeeze %dma_wait3A_257 : memref<1x128x128xf32, #tpu.memory_space<vmem>> -> memref<128x128xf32, #tpu.memory_space<vmem>>
    %dma_wait3A_259 = arith.constant 0 : i32
    %dma_wait3A_260 = tpu.memref_slice %arg7[%arg0, %add3A_252, %dma_wait3A_259] : memref<2x10240x128xf32, #tpu.memory_space<hbm>> -> memref<1x128x128xf32, #tpu.memory_space<hbm>>
    %dma_wait3A_261 = tpu.memref_squeeze %dma_wait3A_260 : memref<1x128x128xf32, #tpu.memory_space<hbm>> -> memref<128x128xf32, #tpu.memory_space<hbm>>
    %dma_wait3A_262 = tpu.memref_slice %arg15[%dma_wait3A_254] : memref<2x!tpu.dma_semaphore, #tpu.memory_space<semaphore_mem>> -> memref<1x!tpu.dma_semaphore, #tpu.memory_space<semaphore_mem>>
    %dma_wait3A_263 = tpu.memref_squeeze %dma_wait3A_262 : memref<1x!tpu.dma_semaphore, #tpu.memory_space<semaphore_mem>> -> memref<!tpu.dma_semaphore, #tpu.memory_space<semaphore_mem>>
    %dma_wait3A_264 = arith.constant 0 : i32
    %dma_wait3A_265 = tpu.memref_slice %arg7[%arg0, %add3A_252, %dma_wait3A_264] : memref<2x10240x128xf32, #tpu.memory_space<hbm>> -> memref<1x128x128xf32, #tpu.memory_space<hbm>>
    %dma_wait3A_266 = tpu.memref_squeeze %dma_wait3A_265 : memref<1x128x128xf32, #tpu.memory_space<hbm>> -> memref<128x128xf32, #tpu.memory_space<hbm>>
    %dma_wait3A_267 = arith.constant 0 : i32
    %dma_wait3A_268 = arith.constant 0 : i32
    %dma_wait3A_269 = tpu.memref_slice %arg11[%dma_wait3A_253, %dma_wait3A_267, %dma_wait3A_268] : memref<2x128x128xf32, #tpu.memory_space<vmem>> -> memref<1x128x128xf32, #tpu.memory_space<vmem>>
    %dma_wait3A_270 = tpu.memref_squeeze %dma_wait3A_269 : memref<1x128x128xf32, #tpu.memory_space<vmem>> -> memref<128x128xf32, #tpu.memory_space<vmem>>
    tpu.wait_dma2 semaphore(%dma_wait3A_263 : memref<!tpu.dma_semaphore, #tpu.memory_space<semaphore_mem>>) src(%dma_wait3A_270 : memref<128x128xf32, #tpu.memory_space<vmem>>) dst(%dma_wait3A_266 : memref<128x128xf32, #tpu.memory_space<hbm>>)
    return
  }
}

module attributes {stable_mosaic.version = 14 : i64} {
  func.func @_tc_body(%arg0: memref<2x10240x128xf32, #tpu.memory_space<vmem>>, %arg1: memref<2x10240x1xf32, #tpu.memory_space<vmem>>, %arg2: memref<128x128xf32, #tpu.memory_space<vmem>>, %arg3: memref<1x128xf32, #tpu.memory_space<vmem>>, %arg4: memref<10000x128xf32, #tpu.memory_space<vmem>>) attributes {dimension_semantics = [], scalar_prefetch = 0 : i64, scratch_operands = 0 : i64, tpu.core_type = #tpu.core_type<tc>} {
    %get3A = arith.constant 0 : index
    %get3A_0 = arith.constant 0 : index
    %get3A_1 = arith.constant 0 : index
    %get3A_2 = vector.load %arg0[%get3A, %get3A_0, %get3A_1] : memref<2x10240x128xf32, #tpu.memory_space<vmem>>, vector<1x10240x128xf32>
    %get3A_3 = vector.shape_cast %get3A_2 : vector<1x10240x128xf32> to vector<10240x128xf32>
    %get3A_4 = arith.constant 1 : index
    %get3A_5 = arith.constant 0 : index
    %get3A_6 = arith.constant 0 : index
    %get3A_7 = vector.load %arg0[%get3A_4, %get3A_5, %get3A_6] : memref<2x10240x128xf32, #tpu.memory_space<vmem>>, vector<1x10240x128xf32>
    %get3A_8 = vector.shape_cast %get3A_7 : vector<1x10240x128xf32> to vector<10240x128xf32>
    %add3A = arith.addf %get3A_3, %get3A_8 : vector<10240x128xf32>
    %slice3A = vector.extract_strided_slice %add3A {offsets = [0, 0], sizes = [10000, 128], strides = [1, 1]} : vector<10240x128xf32> to vector<10000x128xf32>
    %get3A_9 = arith.constant 0 : index
    %get3A_10 = arith.constant 0 : index
    %get3A_11 = arith.constant 0 : index
    %get3A_12 = vector.load %arg1[%get3A_9, %get3A_10, %get3A_11] : memref<2x10240x1xf32, #tpu.memory_space<vmem>>, vector<1x10240x1xf32>
    %get3A_13 = vector.shape_cast %get3A_12 : vector<1x10240x1xf32> to vector<10240x1xf32>
    %get3A_14 = arith.constant 1 : index
    %get3A_15 = arith.constant 0 : index
    %get3A_16 = arith.constant 0 : index
    %get3A_17 = vector.load %arg1[%get3A_14, %get3A_15, %get3A_16] : memref<2x10240x1xf32, #tpu.memory_space<vmem>>, vector<1x10240x1xf32>
    %get3A_18 = vector.shape_cast %get3A_17 : vector<1x10240x1xf32> to vector<10240x1xf32>
    %add3A_19 = arith.addf %get3A_13, %get3A_18 : vector<10240x1xf32>
    %slice3A_20 = vector.extract_strided_slice %add3A_19 {offsets = [0, 0], sizes = [10000, 1], strides = [1, 1]} : vector<10240x1xf32> to vector<10000x1xf32>
    %max3A = arith.constant 1.000000e+00 : f32
    %max3A_21 = vector.broadcast %max3A : f32 to vector<10000x1xf32>
    %max3A_22 = arith.maximumf %slice3A_20, %max3A_21 : vector<10000x1xf32>
    %div3A = vector.broadcast %max3A_22 : vector<10000x1xf32> to vector<10000x128xf32>
    %div3A_23 = arith.divf %slice3A, %div3A : vector<10000x128xf32>
    %get3A_24 = arith.constant 0 : index
    %get3A_25 = arith.constant 0 : index
    %get3A_26 = vector.load %arg2[%get3A_24, %get3A_25] : memref<128x128xf32, #tpu.memory_space<vmem>>, vector<128x128xf32>
    %dot_general3A = arith.constant dense<0.000000e+00> : vector<10000x128xf32>
    %dot_general3A_27 = tpu.matmul %div3A_23, %get3A_26, %dot_general3A {dimension_numbers = #tpu.dot_dimension_numbers<[1], [1], [0], [0], [0, 0, 1, 0], [], []>, transpose_lhs_hint = false} : vector<10000x128xf32>, vector<128x128xf32>, vector<10000x128xf32> -> vector<10000x128xf32>
    %gt3A = arith.constant 0.000000e+00 : f32
    %gt3A_28 = vector.broadcast %gt3A : f32 to vector<10000x1xf32>
    %gt3A_29 = arith.cmpf ogt, %slice3A_20, %gt3A_28 : vector<10000x1xf32>
    %get3A_30 = arith.constant 0 : index
    %get3A_31 = arith.constant 0 : index
    %get3A_32 = vector.load %arg3[%get3A_30, %get3A_31] : memref<1x128xf32, #tpu.memory_space<vmem>>, vector<1x128xf32>
    %jit3A = arith.constant 0.000000e+00 : f32
    %broadcast_in_dim3A = vector.shape_cast %gt3A_29 : vector<10000x1xi1> to vector<10000x1xi1>
    %broadcast_in_dim3A_33 = vector.broadcast %broadcast_in_dim3A : vector<10000x1xi1> to vector<10000x128xi1>
    %broadcast_in_dim3A_34 = vector.shape_cast %get3A_32 : vector<1x128xf32> to vector<1x128xf32>
    %broadcast_in_dim3A_35 = vector.broadcast %broadcast_in_dim3A_34 : vector<1x128xf32> to vector<10000x128xf32>
    %broadcast_in_dim3A_36 = vector.broadcast %jit3A : f32 to vector<10000x128xf32>
    %select_n3A = arith.select %broadcast_in_dim3A_33, %broadcast_in_dim3A_35, %broadcast_in_dim3A_36 : vector<10000x128xi1>, vector<10000x128xf32>
    %add3A_37 = arith.addf %dot_general3A_27, %select_n3A : vector<10000x128xf32>
    %swap3A = arith.constant 0 : index
    %swap3A_38 = arith.constant 0 : index
    %swap3A_39 = vector.load %arg4[%swap3A, %swap3A_38] : memref<10000x128xf32, #tpu.memory_space<vmem>>, vector<10000x128xf32>
    tpu.vector_store %arg4[%swap3A, %swap3A_38], %add3A_37 {strides = array<i32>} : memref<10000x128xf32, #tpu.memory_space<vmem>>, vector<10000x128xf32>,
    return
  }
}

</mosaic_0001>

<sc_bundles>
// kernel: kernel.4.cloned.1.call-start
scs
__scs_entry_jumppad:
0x0: {  	(pc) =	sbr.rel $0x88, $3  }
0x1: {  	(tag) =	ssettag $0x0;
	lr =	simm.s32 $0x1  }
0x2: {  	[smem:$0x3F9D] =	sst lr;
	_ =	strace $0xD0000000  }
0x3: {  	_ = 	snop  }
0x4: {  	_ = 	snop  }
0x5: {  	_ = 	snop  }
0x6: {  	_ = 	snop  }
0x7: {  	_ = 	snop  }
__scs_overlays_trampoline_lowered:
0x8: {  	[smem:$0x3FAC] =	sst s0  }
0x9: {  	[smem:$0x3FAD] =	sst s1  }
0xa: {  	[smem:$0x3FAE] =	sst s2  }
0xb: {  	[smem:$0x3FAF] =	sst s3  }
0xc: {  	[smem:$0x3FB0] =	sst s4  }
0xd: {  	[smem:$0x3FB1] =	sst s5  }
0xe: {  	[smem:$0x3FB2] =	sst s6  }
0xf: {  	[smem:$0x3FB3] =	sst s7  }
0x10: {  	[smem:$0x3FB4] =	sst s8  }
0x11: {  	[smem:$0x3FB5] =	sst s9;
	s0 =	simm.s32 @!p0 $0x0  }
0x12: {  	s1 =	sld [smem:$0x3F9B];
	s0 =	simm.s32 @p0 $0x1  }
0x13: {  	[smem:$0x3FB6] =	sst s0;
	s0 =	simm.s32 @!p1 $0x0  }
0x14: {  	s2 =	sld [smem:$0x3F9A];
	s0 =	simm.s32 @p1 $0x1  }
0x15: {  	[smem:$0x3FB7] =	sst s0;
	s0 =	simm.s32 @!p2 $0x0  }
0x16: {  	s3 =	sld [smem:$0x3FDB];
	s0 =	simm.s32 @p2 $0x1  }
0x17: {  	s4 =	simm.s32 $0x1BF5;
	[smem:$0x3FB9] =	sst s0  }
0x18: {  	s0 =	sld [smem:$0x3F9C];
	_ =	swait.ge [sflag:s4], $0x0  }
0x19: {  	s7 =	sld [smem:$0x3F9D]  }
0x1a: {  	s8 =	sadd.s32 $0xFFFFE003, lr  }
0x1b: {  	s9 =	sadd.s32 $0xFFFFFEF7, lr;
	s5 =	simm.s32 $0xFFFFFFFF;
	p2 =	slt.u32 s8, $0xFFFFF086  }
0x1c: {  	p1 =	slt.u32 s9, $0xF7A;
	s5 =	simm.s32 @!p2 $0x0  }
0x1d: {  	s5 =	simm.s32 @p1 $0x1;
	p0 =	seq.s32 s7, s2  }
0x1e: {  	s7 =	smul.u32 @!p0 $0xF7A, s2;
	p2 =	seq.s32 @!p0 s5, $0x0  }
0x1f: {  	s9 =	smul.u32 $0xF7A, s1;
	s8 =	simm.s32 @!p0 $0x1BF5;
	p2 =	por !p2, p0  }
0x20: {  	[sflag:s8] =	ssyncset.s32 @!p0 $0xFFFFF086;
	s6 =	sadd.s32 @!p0 s3, s7;
	s7 =	simm.s32 @!p0 $0x108  }
0x21: {  	s3 =	sadd.s32 s3, s9;
	s6 =	sadd.s32 @!p0 $0x88, s6;
	s7 =	simm.s32 @p2 $0x1082  }
0x22: {  	[simem:s7], [sflag:s8] =	dma.local @!p0 [hbm:s6], $0xF7A  }
0x23: {  	s9 =	sor.u32 $0xD0000000, s2;
	s6 =	simm.s32 $0x108;
	_ =	swait.ge @!p0 [sflag:s8], $0x0  }
0x24: {  	s3 =	sadd.s32 $0x88, s3;
	s6 =	simm.s32 @!p1 $0x1082;
	[sflag:s4] =	ssyncset.s32 $0xFFFFF086  }
0x25: {  	[simem:s6], [sflag:s4] =	dma.local [hbm:s3], $0xF7A  }
0x26: {  	[smem:$0x3F9D] =	sst s1;
	(tag) =	ssettag s2;
	_ =	strace s9  }
0x27: {  	s1 =	sld [smem:$0x3FAD]  }
0x28: {  	s2 =	sld [smem:$0x3FAE]  }
0x29: {  	s4 =	sld [smem:$0x3FB0]  }
0x2a: {  	p0 =	seq.s32 s5, $0x0;
	s5 =	sld [smem:$0x3FB1]  }
0x2b: {  	s6 =	sld [smem:$0x3FB2]  }
0x2c: {  	s7 =	sld [smem:$0x3FB3]  }
0x2d: {  	s3 =	simm.s32 $0x108;
	s8 =	sld [smem:$0x3FB4]  }
0x2e: {  	s3 =	simm.s32 @!p0 $0x1082;
	s9 =	sld [smem:$0x3FB5]  }
0x2f: {  	lr =	sadd.s32 s0, s3;
	s0 =	sld [smem:$0x3FAC]  }
0x30: {  	s3 =	sld [smem:$0x3FAF]  }
0x31: {  	[smem:$0x3FB8] =	sst s10  }
0x32: {  	s10 =	sld [smem:$0x3FB6];
	_ =	sdelay $0x3  }
0x33: {  	p0 =	seq.s32 s10, $0x1;
	s10 =	sld [smem:$0x3FB8];
	_ =	sdelay $0x3  }
0x34: {  	[smem:$0x3FB8] =	sst s10  }
0x35: {  	s10 =	sld [smem:$0x3FB7];
	_ =	sdelay $0x3  }
0x36: {  	p1 =	seq.s32 s10, $0x1;
	s10 =	sld [smem:$0x3FB8];
	_ =	sdelay $0x3  }
0x37: {  	[smem:$0x3FB8] =	sst s10  }
0x38: {  	s10 =	sld [smem:$0x3FB9]  }
0x39: {  	_ = 	snop;
	(pc) =	sbr.ind lr, $3  }
0x3a: {  	_ = 	snop  }
0x3b: {  	_ = 	snop  }
0x3c: {  	p2 =	seq.s32 s10, $0x1;
	s10 =	sld [smem:$0x3FB8]  }
0x3d: {  	_ =	shalt  }
0x3e: {  	_ =	shalt  }
0x3f: {  	_ =	shalt  }
0x40: {  	_ =	shalt  }
0x41: {  	_ =	shalt  }
0x42: {  	_ =	shalt  }
0x43: {  	_ =	shalt  }
0x44: {  	_ =	shalt  }
0x45: {  	_ =	shalt  }
0x46: {  	_ =	shalt  }
0x47: {  	_ =	shalt  }
0x48: {  	_ =	shalt  }
0x49: {  	_ =	shalt  }
0x4a: {  	_ =	shalt  }
0x4b: {  	_ =	shalt  }
0x4c: {  	_ =	shalt  }
0x4d: {  	_ =	shalt  }
0x4e: {  	_ =	shalt  }
0x4f: {  	_ =	shalt  }
0x50: {  	_ =	shalt  }
0x51: {  	_ =	shalt  }
0x52: {  	_ =	shalt  }
0x53: {  	_ =	shalt  }
0x54: {  	_ =	shalt  }
0x55: {  	_ =	shalt  }
0x56: {  	_ =	shalt  }
0x57: {  	_ =	shalt  }
0x58: {  	_ =	shalt  }
0x59: {  	_ =	shalt  }
0x5a: {  	_ =	shalt  }
0x5b: {  	_ =	shalt  }
0x5c: {  	_ =	shalt  }
0x5d: {  	_ =	shalt  }
0x5e: {  	_ =	shalt  }
0x5f: {  	_ =	shalt  }
0x60: {  	_ =	shalt  }
0x61: {  	_ =	shalt  }
0x62: {  	_ =	shalt  }
0x63: {  	_ =	shalt  }
0x64: {  	_ =	shalt  }
0x65: {  	_ =	shalt  }
0x66: {  	_ =	shalt  }
0x67: {  	_ =	shalt  }
0x68: {  	_ =	shalt  }
0x69: {  	_ =	shalt  }
0x6a: {  	_ =	shalt  }
0x6b: {  	_ =	shalt  }
0x6c: {  	_ =	shalt  }
0x6d: {  	_ =	shalt  }
0x6e: {  	_ =	shalt  }
0x6f: {  	_ =	shalt  }
0x70: {  	_ =	shalt  }
0x71: {  	_ =	shalt  }
0x72: {  	_ =	shalt  }
0x73: {  	_ =	shalt  }
0x74: {  	_ =	shalt  }
0x75: {  	_ =	shalt  }
0x76: {  	_ =	shalt  }
0x77: {  	_ =	shalt  }
0x78: {  	_ =	shalt  }
0x79: {  	_ =	shalt  }
0x7a: {  	_ =	shalt  }
0x7b: {  	_ =	shalt  }
0x7c: {  	_ =	shalt  }
0x7d: {  	_ =	shalt  }
0x7e: {  	_ =	shalt  }
0x7f: {  	_ =	shalt  }
0x80: {  	_ =	shalt  }
0x81: {  	_ =	shalt  }
0x82: {  	_ =	shalt  }
0x83: {  	_ =	shalt  }
0x84: {  	_ =	shalt  }
0x85: {  	_ =	shalt  }
0x86: {  	_ =	shalt  }
0x87: {  	_ =	shalt  }
.Lfunc_end0:
.L_simem_size_0:
called_computation_lowered:
.L_overlay_start_0:
0x88: {  	s2 =	sld [smem:$0x3FD9]  }
0x89: {  	s3 =	sld [smem:$0x3FFE];
	_ =	sdelay $0x1  }
0x8a: {  	s1 =	srdreg.scid  }
0x8b: {  	s0 =	sand.u32 $0x1, s1  }
0x8c: {  	s17 =	sshll.u32 s0, $0xA;
	s2 =	sadd.s32 s3, s2  }
0x8d: {  	s2 =	sadd.s32 s2, s17  }
0x8e: {  	[smem:$0x3FC4] =	sst s2  }
0x8f: {  	_ = 	snop  }
0x90: {  	s2 =	sld [smem:$0x3FC9]  }
0x91: {  	s18 =	sld [smem:$0x3FD0];
	(tm) =	ssettm $0x1  }
0x92: {  	s4 =	sld [smem:$0x3FFB];
	_ =	sdelay $0x3  }
0x93: {  	_ =	strace s4  }
0x94: {  	s4 =	sld [smem:$0x3FFC];
	_ =	sdelay $0x3  }
0x95: {  	_ =	strace s4  }
0x96: {  	s4 =	sld [smem:$0x3FFD];
	_ =	sdelay $0x3  }
0x97: {  	_ =	strace s4  }
0x98: {  	_ =	strace $0x8FFFFFFF  }
0x99: {  	s19 =	sld [smem:$0x3FDB];
	_ =	sdelay $0x1  }
0x9a: {  	s5 =	simm.s32 $_scs_section_size  }
0x9b: {  	s6 =	simm.s32 $_size__tile_overlayer_lowered;
	s7 =	simm.s32 $_tile_overlayer_lowered  }
0x9c: {  	s22 =	simm.s32 $0x1BFF;
	s21 =	sshll.u32 s7, $0x1;
	s4 =	sadd.s32 s5, s19  }
0x9d: {  	s8 =	simm.s32 $0x0;
	s20 =	sshll.u32 s6, $0x1;
	s6 =	sadd.s32 s21, s4  }
0x9e: {  	[timem:s8], [sflag:s22] =	dma.local [hbm:s6], s20  }
0x9f: {  	_ =	swait.ge [sflag:s22], s20  }
0xa0: {  	s5 =	ssub.s32 $0x0, s20;
	[sflag:s22] =	ssyncset.done $0x0  }
0xa1: {  	[sflag:s22] =	ssyncadd.s32 s5;
	_ =	sdelay $0x1  }
0xa2: {  	s23 =	simm.s32 $0x1B8B  }
0xa3: {  	_ =	swait.ge [sflag:s23], $0x1  }
0xa4: {  	[sflag:s23] =	ssyncset.done $0x0  }
0xa5: {  	s25 =	simm.s32 $0x1B8E;
	s24 =	sld [smem:$0x3FFE];
	[sflag:s23] =	ssyncadd.s32 $0xFFFFFFFF  }
0xa6: {  	s26 =	simm.s32 $execute0_lowered;
	[smem:$0x3FD2] =	sst s25  }
0xa7: {  	s6 =	sshll.u32 s26, $0x1;
	_ =	strace $0x80000046;
	[dreg:$0x1] =	wrdreg $0xFFFFFFFF  }
0xa8: {  	s28 =	simm.s32 $_size_execute0_lowered;
	s4 =	sadd.s32 s4, s6;
	[dreg:$0x0] =	wrdreg $0x0  }
0xa9: {  	s6 =	sshll.u32 s28, $0x1;
	[dreg:$0x2] =	wrdreg s4  }
0xaa: {  	[dreg:$0x3] =	wrdreg s6  }
0xab: {  	[dreg:$0x4] =	wrdreg $0xC0  }
0xac: {  	_ =	task [dreg:s8], $0x5FFFF  }
0xad: {  	[dreg:$0x1] =	wrdreg $0xFFFFFFFF  }
0xae: {  	[dreg:$0x0] =	wrdreg $0x60  }
0xaf: {  	[dreg:$0x2] =	wrdreg s2  }
0xb0: {  	[dreg:$0x3] =	wrdreg s18  }
0xb1: {  	[dreg:$0x4] =	wrdreg s24  }
0xb2: {  	[dreg:$0x5] =	wrdreg $0x0  }
0xb3: {  	[dreg:$0x6] =	wrdreg $0x140000  }
0xb4: {  	[dreg:$0x7] =	wrdreg $0x9  }
0xb5: {  	_ =	task.clear_ibuf [dreg:s8], $0x8FFFF;
	_ =	strace $0x90000046  }
0xb6: {  	s29 =	simm.s32 $0x9;
	_ =	strace $0x80000048  }
0xb7: {  	_ =	swait.ge [sflag:s29], $0x1  }
0xb8: {  	[sflag:s29] =	ssyncadd.s32 $0xFFFFFFFF  }
0xb9: {  	_ =	strace $0x90000048  }
0xba: {  	_ =	sfence  }
0xbb: {  	s30 =	sld [smem:$0x0];
	_ =	sdelay $0x2  }
0xbc: {  	s31 =	sshll.u32 s1, $0xD;
	s1 =	sshrl.u32 s1, $0x2  }
0xbd: {  	s3 =	sand.u32 $0x4000, s31;
	s1 =	sadd.s32 s1, s30  }
0xbe: {  	s0 =	sor.u32 s3, s0;
	s1 =	sshll.u32 s1, $0x11  }
0xbf: {  	s0 =	sor.u32 s1, s0  }
0xc0: {  	s0 =	sadd.s32 $0x8F2B, s0  }
0xc1: {  	[sflag:s0] =	ssyncadd.remote.s32 $0x1  }
0xc2: {  	_ =	sfence.sel $0xFFFF  }
0xc3: {  	[dreg:$0x0] =	wrdreg $0xFFFFFFFF;
	(pc) =	sbr.abs _section_cstart, $3  }
0xc4: {  	[dreg:$0x1] =	wrdreg $0xFFFFFFFF  }
0xc5: {  	_ =	task.clear_ibuf [dreg:s8], $0x2FFFF;
	_ =	strace $0x9FFFFFFF  }
0xc6: {  	(tm) =	ssettm $0x7FFFFFFF  }
0xc7: {  	_ =	shalt  }
tec
execute0_lowered:
.L_overlay_start_1:
0x0: {  	(tag) =	ssettag $0x1  }
0x1: {  	s4 =	rddreg [dreg:$0x0]  }
0x2: {  	s5 =	rddreg [dreg:$0x1]  }
0x3: {  	s0 =	rddreg [dreg:$0x2];
	s2 =	srdreg.scid  }
0x4: {  	s18 =	stileid.u32;
	s1 =	rddreg [dreg:$0x3]  }
0x5: {  	s30 =	simm.s32 $0x18280;
	s31 =	simm.s32 $0x1C300;
	s21 =	smul.u32 $0x500, s18  }
0x6: {  	s6 =	sand.u32 $0x1, s2;
	s7 =	sadd.s32 $0x2400, s0;
	s15 =	smul.u32 $0x14000, s18  }
0x7: {  	s3 =	sshll.u32 s6, $0x7;
	s8 =	sshll.u32 s6, $0x4;
	s22 =	ssub.s32 $0x2, s6  }
0x8: {  	s13 =	smul.u32 $0x140000, s6;
	s9 =	sor.u32 s3, s21;
	s8 =	sor.u32 s18, s8  }
0x9: {  	s10 =	sshrl.u32 s22, $0x1;
	s3 =	smul.u32 $0x280, s18;
	s11 =	sor.u32 $0x20, s8  }
0xa: {  	s2 =	ssub.s32 s22, s10;
	s14 =	sshll.u32 s8, $0xB;
	s26 =	sshll.u32 s8, $0x4  }
0xb: {  	s15 =	sadd.s32 s15, s13;
	s8 =	sor.u32 $0x9C0, s8;
	s23 =	sshll.u32 s11, $0xB  }
0xc: {  	s11 =	sshll.u32 s11, $0x4;
	s25 =	sshll.u32 s3, $0x7;
	s14 =	sadd.s32 s4, s14  }
0xd: {  	s22 =	sshll.u32 s8, $0xB;
	p0 =	sgt.u32 s8, $0x9C3;
	s10 =	sadd.s32 s4, s23  }
0xe: {  	s24 =	sadd.s32 s5, s11;
	s11 =	sadd.s32 $0x4000, s25;
	s12 =	sadd.s32 $0x8000, s25  }
0xf: {  	s17 =	sadd.s32 $0xC000, s25;
	[dreg:$0x8] =	wrdreg s14;
	s14 =	sadd.s32 s5, s26  }
0x10: {  	s23 =	sshll.u32 s8, $0x4;
	s26 =	sshll.u32 s18, $0x4;
	[dreg:$0x6] =	wrdreg s10  }
0x11: {  	s8 =	simm.s32 $0x5;
	[dreg:$0x7] =	wrdreg s24;
	s10 =	sadd.s32 $0x10000, s25  }
0x12: {  	[dreg:$0x9] =	wrdreg s14;
	s16 =	sadd.s32 s13, s11;
	s14 =	sshrl.u32 s15, $0x3  }
0x13: {  	s21 =	sadd.s32 s13, s17;
	s24 =	sshll.u32 s6, $0xF;
	s6 =	sshll.u32 s6, $0x8  }
0x14: {  	s25 =	sshll.u32 s18, $0xB;
	s29 =	sadd.s32 s17, s1;
	s14 =	sadd.s32 s7, s14  }
0x15: {  	s17 =	simm.s32 $0x8;
	s15 =	sshrl.u32 s16, $0x3;
	[dreg:$0xa] =	wrdreg s14  }
0x16: {  	s16 =	sadd.s32 s13, s12;
	s19 =	sadd.s32 s7, s15;
	s15 =	rddreg [dreg:$0x4]  }
0x17: {  	s20 =	sshrl.u32 s16, $0x3;
	s16 =	simm.s32 $0x0;
	[dreg:$0xb] =	wrdreg s19  }
0x18: {  	s13 =	sadd.s32 s13, s10;
	s14 =	sadd.s32 s7, s20;
	[smem:$0x7FF] =	sst s16  }
0x19: {  	s13 =	sshrl.u32 s13, $0x3;
	[dreg:$0xc] =	wrdreg s14;
	s14 =	sshrl.u32 s21, $0x3  }
0x1a: {  	s19 =	sshrl.u32 s9, $0x3;
	s20 =	smul.u32 $0x50000, s18;
	s14 =	sadd.s32 s7, s14  }
0x1b: {  	s9 =	simm.s32 $0x7;
	s7 =	sadd.s32 s7, s13;
	[dreg:$0xd] =	wrdreg s14  }
0x1c: {  	s18 =	simm.s32 $0x0;
	s21 =	sadd.s32 $0x1200, s0;
	[dreg:$0xe] =	wrdreg s7  }
0x1d: {  	s7 =	sadd.s32 s4, s22;
	s4 =	sadd.s32 s24, s4;
	s22 =	sadd.s32 $0x1000, s0  }
0x1e: {  	[dreg:$0xf] =	wrdreg s7;
	s7 =	sadd.s32 s5, s23;
	s5 =	sadd.s32 s6, s5  }
0x1f: {  	s14 =	sadd.s32 s25, s4;
	s23 =	sshrl.u32 s20, $0x2;
	s25 =	smax.u32 s2, $0x1  }
0x20: {  	s4 =	simm.s32 $0x1C280;
	s6 =	simm.s32 $0x3;
	[dreg:$0x10] =	wrdreg s7  }
0x21: {  	s13 =	sadd.s32 s26, s5;
	s5 =	sadd.s32 s19, s0;
	s0 =	sadd.s32 $0xE00, s0  }
0x22: {  	s20 =	sadd.s32 s23, s1;
	s26 =	sadd.s32 s12, s1;
	s19 =	sadd.s32 s3, s15  }
0x23: {  	s23 =	simm.s32 $0x1C400;
	_ =	strace $0x80000047;
	[dreg:$0x11] =	wrdreg s21  }
0x24: {  	s3 =	simm.s32 $0x1C380;
	s7 =	simm.s32 $0x80;
	[dreg:$0x12] =	wrdreg s22  }
0x25: {  	s12 =	simm.s32 $0x6;
	[dreg:$0x13] =	wrdreg s0;
	s21 =	sadd.s32 s11, s1  }
0x26: {  	s22 =	sadd.s32 s10, s1;
	s24 =	sadd.s32 $0x1A00, s5;
	[dreg:$0x17] =	wrdreg s25  }
0x27: {  	s28 =	sadd.s32 $0x600, s13;
	s13 =	simm.s32 $0x14280;
	[dreg:$0x14] =	wrdreg s19  }
0x28: {  	s0 =	simm.s32 $0x9;
	s5 =	simm.s32 $0x1;
	[dreg:$0x16] =	wrdreg s24  }
0x29: {  	s10 =	simm.s32 $0x2;
	s11 =	simm.s32 $0x4;
	[dreg:$0x15] =	wrdreg s22  }
.LBB2_1:
0x2a: {  	s24 =	rddreg [dreg:$0x6]  }
0x2b: {  	[tilespmem:s30], [sflag:$0x2] =	stream.linear.gather [hbm4b:s24+s16], $0x4000, $0x38;
	[tilespmem:$0x1C680] =	vst v63  }
0x2c: {  	s25 =	rddreg [dreg:$0x7]  }
0x2d: {  	[tilespmem:s31], [sflag:$0x4] =	stream.linear.gather [hbm4b:s25+s16], $0x80, $0x38;
	[tilespmem:$0x1C680] =	vst v63  }
0x2e: {  	s24 =	rddreg [dreg:$0x11]  }
0x2f: {  	[tilespmem:s13], [sflag:$0x9] =	stream.linear.gather [hbm4b:s24+s16], $0x4000, $0x38;
	[tilespmem:$0x1C680] =	vst v63  }
0x30: {  	_ =	swait.ge [sflag:s0], $0x4000  }
0x31: {  	[sflag:s0] =	ssyncset.done $0x0  }
0x32: {  	s25 =	rddreg [dreg:$0x12];
	[sflag:s0] =	ssyncadd.s32 $0xFFFFC000  }
0x33: {  	[tilespmem:s23], [sflag:$0x9] =	stream.linear.gather [hbm4b:s25+s16], $0x280, $0x38;
	[tilespmem:$0x1C680] =	vst v63  }
0x34: {  	_ =	swait.ge [sflag:s0], $0x280  }
0x35: {  	[sflag:s0] =	ssyncset.done $0x0  }
0x36: {  	[sflag:s0] =	ssyncadd.s32 $0xFFFFFD80  }
0x37: {  	[spmem:s20] =	stream.linear.scatter [tilespmem:s13], [sflag:$0x9], $0x4000, $0x38;
	[tilespmem:$0x1C680] =	vst v63  }
0x38: {  	_ =	swait.ge [sflag:s0], $0x4000  }
0x39: {  	[sflag:s0] =	ssyncset.done $0x0  }
0x3a: {  	[sflag:s0] =	ssyncadd.s32 $0xFFFFC000  }
0x3b: {  	[spmem:s21] =	stream.linear.scatter [tilespmem:s13], [sflag:$0x9], $0x4000, $0x38;
	[tilespmem:$0x1C680] =	vst v63  }
0x3c: {  	_ =	swait.ge [sflag:s0], $0x4000  }
0x3d: {  	[sflag:s0] =	ssyncset.done $0x0  }
0x3e: {  	[sflag:s0] =	ssyncadd.s32 $0xFFFFC000  }
0x3f: {  	[spmem:s26] =	stream.linear.scatter [tilespmem:s13], [sflag:$0x9], $0x4000, $0x38;
	[tilespmem:$0x1C680] =	vst v63  }
0x40: {  	_ =	swait.ge [sflag:s0], $0x4000  }
0x41: {  	[sflag:s0] =	ssyncset.done $0x0  }
0x42: {  	[sflag:s0] =	ssyncadd.s32 $0xFFFFC000  }
0x43: {  	[spmem:s29] =	stream.linear.scatter [tilespmem:s13], [sflag:$0x9], $0x4000, $0x38;
	[tilespmem:$0x1C680] =	vst v63  }
0x44: {  	_ =	swait.ge [sflag:s0], $0x4000  }
0x45: {  	[sflag:s0] =	ssyncset.done $0x0  }
0x46: {  	s2 =	smov.u32 s19;
	s19 =	smov.u32 s22;
	[sflag:s0] =	ssyncadd.s32 $0xFFFFC000  }
0x47: {  	[spmem:s19] =	stream.linear.scatter [tilespmem:s13], [sflag:$0x9], $0x4000, $0x38;
	[tilespmem:$0x1C680] =	vst v63  }
0x48: {  	_ =	swait.ge [sflag:s0], $0x4000  }
0x49: {  	[sflag:s0] =	ssyncset.done $0x0  }
0x4a: {  	s22 =	smov.u32 s20;
	s20 =	simm.s32 $0x1C400;
	[sflag:s0] =	ssyncadd.s32 $0xFFFFC000  }
0x4b: {  	[spmem:s2] =	stream.linear.scatter [tilespmem:s20], [sflag:$0x9], $0x280, $0x38;
	[tilespmem:$0x1C680] =	vst v63  }
0x4c: {  	_ =	swait.ge [sflag:s0], $0x280  }
0x4d: {  	[sflag:s0] =	ssyncset.done $0x0  }
0x4e: {  	s20 =	rddreg [dreg:$0x13];
	[sflag:s0] =	ssyncadd.s32 $0xFFFFFD80  }
0x4f: {  	[tilespmem:s3], [sflag:$0x9] =	stream.linear.gather [hbm4b:s20+s16], $0x80, $0x38;
	[tilespmem:$0x1C680] =	vst v63  }
0x50: {  	_ =	swait.ge [sflag:s0], $0x80  }
0x51: {  	[sflag:s0] =	ssyncset.done $0x0  }
0x52: {  	s23 =	smov.u32 s21;
	s21 =	rddreg [dreg:$0x8];
	[sflag:s0] =	ssyncadd.s32 $0xFFFFFF80  }
0x53: {  	[tilespmem:s13], [sflag:$0x1] =	stream.linear.gather [hbm4b:s21+s16], $0x4000, $0x38;
	[tilespmem:$0x1C680] =	vst v63  }
0x54: {  	s24 =	smov.u32 s26;
	s26 =	rddreg [dreg:$0x9]  }
0x55: {  	[tilespmem:s4], [sflag:$0x3] =	stream.linear.gather [hbm4b:s26+s16], $0x80, $0x38;
	[tilespmem:$0x1C680] =	vst v63  }
0x56: {  	[bflag:$0x0] =	sbarrier.arrive $0xFFFF  }
0x57: {  	_ =	swait.ge [sflag:s5], $0x4000  }
0x58: {  	[sflag:s5] =	ssyncset.done $0x0  }
0x59: {  	[sflag:s5] =	ssyncadd.s32 $0xFFFFC000  }
0x5a: {  	_ =	swait.ge [sflag:s6], $0x80  }
0x5b: {  	[sflag:s6] =	ssyncset.done $0x0  }
0x5c: {  	[sflag:s6] =	ssyncadd.s32 $0xFFFFFF80  }
0x5d: {  	[spmem:s1] =	stream.indirect.scatter.add.f32 [tilespmem:s13], [sflag:$0x5], $0x80, s4, s7, $0xb8;
	[tilespmem:$0x1C680] =	vst v63  }
0x5e: {  	_ = 	snop  }
0x5f: {  	[spmem:s15] =	stream.indirect.scatter.add.f32 [tilespmem:s3], [sflag:$0x7], $0x1, s4, s7, $0xb8;
	[tilespmem:$0x1C680] =	vst v63  }
0x60: {  	_ =	swait.ge [sflag:s8], $0x4000  }
0x61: {  	[sflag:s8] =	ssyncset.done $0x0  }
0x62: {  	[sflag:s8] =	ssyncadd.s32 $0xFFFFC000  }
0x63: {  	_ =	swait.ge [sflag:s9], $0x80  }
0x64: {  	s2 =	sadd.s32 $0x0, s14;
	[sflag:s9] =	ssyncset.done $0x0  }
0x65: {  	s20 =	sadd.s32 $0x20000, s2;
	[sflag:s9] =	ssyncadd.s32 $0xFFFFFF80  }
0x66: {  	[tilespmem:s13], [sflag:$0x1] =	stream.linear.gather [hbm4b:s20+s16], $0x4000, $0x38;
	[tilespmem:$0x1C680] =	vst v63  }
0x67: {  	s21 =	sadd.s32 $0xFFFFFE00, s28  }
0x68: {  	[tilespmem:s4], [sflag:$0x3] =	stream.linear.gather [hbm4b:s21+s16], $0x80, $0x38;
	[tilespmem:$0x1C680] =	vst v63  }
0x69: {  	_ =	swait.ge [sflag:s10], $0x4000  }
0x6a: {  	[sflag:s10] =	ssyncset.done $0x0  }
0x6b: {  	[sflag:s10] =	ssyncadd.s32 $0xFFFFC000  }
0x6c: {  	_ =	swait.ge [sflag:s11], $0x80  }
0x6d: {  	[sflag:s11] =	ssyncset.done $0x0  }
0x6e: {  	[sflag:s11] =	ssyncadd.s32 $0xFFFFFF80  }
0x6f: {  	[spmem:s1] =	stream.indirect.scatter.add.f32 [tilespmem:s30], [sflag:$0x6], $0x80, s31, s7, $0xb8;
	[tilespmem:$0x1C680] =	vst v63  }
0x70: {  	_ = 	snop  }
0x71: {  	[spmem:s15] =	stream.indirect.scatter.add.f32 [tilespmem:s3], [sflag:$0x8], $0x1, s31, s7, $0xb8;
	[tilespmem:$0x1C680] =	vst v63  }
0x72: {  	_ =	swait.ge [sflag:s12], $0x4000  }
0x73: {  	[sflag:s12] =	ssyncset.done $0x0  }
0x74: {  	[sflag:s12] =	ssyncadd.s32 $0xFFFFC000  }
0x75: {  	_ =	swait.ge [sflag:s17], $0x80  }
0x76: {  	[sflag:s17] =	ssyncset.done $0x0  }
0x77: {  	s25 =	smov.u32 s29;
	s19 =	sadd.s32 $0x30000, s2;
	[sflag:s17] =	ssyncadd.s32 $0xFFFFFF80  }
0x78: {  	[tilespmem:s30], [sflag:$0x2] =	stream.linear.gather [hbm4b:s19+s16], $0x4000, $0x38;
	[tilespmem:$0x1C680] =	vst v63  }
0x79: {  	s29 =	smov.u32 s28;
	s26 =	sadd.s32 $0x400, s28;
	s19 =	simm.s32 $0x20000  }
.LBB2_2:
0x7a: {  	[tilespmem:s31], [sflag:$0x4] =	stream.linear.gather [hbm4b:s29+s16], $0x80, $0x38;
	[tilespmem:$0x1C680] =	vst v63  }
0x7b: {  	s20 =	smov.u32 s19;
	s29 =	smov.u32 s26  }
0x7c: {  	p1 =	sne.s32 s19, $0x4A0000;
	s19 =	sadd.s32 $0x20000, s19;
	_ =	swait.ge [sflag:s5], $0x4000  }
0x7d: {  	[sflag:s5] =	ssyncset.done $0x0  }
0x7e: {  	[sflag:s5] =	ssyncadd.s32 $0xFFFFC000  }
0x7f: {  	_ =	swait.ge [sflag:s6], $0x80  }
0x80: {  	[sflag:s6] =	ssyncset.done $0x0  }
0x81: {  	[sflag:s6] =	ssyncadd.s32 $0xFFFFFF80  }
0x82: {  	[spmem:s1] =	stream.indirect.scatter.add.f32 [tilespmem:s13], [sflag:$0x5], $0x80, s4, s7, $0xb8;
	[tilespmem:$0x1C680] =	vst v63  }
0x83: {  	_ = 	snop  }
0x84: {  	[spmem:s15] =	stream.indirect.scatter.add.f32 [tilespmem:s3], [sflag:$0x7], $0x1, s4, s7, $0xb8;
	[tilespmem:$0x1C680] =	vst v63  }
0x85: {  	_ =	swait.ge [sflag:s8], $0x4000  }
0x86: {  	[sflag:s8] =	ssyncset.done $0x0  }
0x87: {  	[sflag:s8] =	ssyncadd.s32 $0xFFFFC000  }
0x88: {  	_ =	swait.ge [sflag:s9], $0x80  }
0x89: {  	s20 =	sadd.s32 s20, s14;
	[sflag:s9] =	ssyncset.done $0x0  }
0x8a: {  	s21 =	sadd.s32 $0x20000, s20;
	[sflag:s9] =	ssyncadd.s32 $0xFFFFFF80  }
0x8b: {  	[tilespmem:s13], [sflag:$0x1] =	stream.linear.gather [hbm4b:s21+s16], $0x4000, $0x38;
	[tilespmem:$0x1C680] =	vst v63  }
0x8c: {  	s21 =	sadd.s32 $0xFFFFFE00, s26  }
0x8d: {  	[tilespmem:s4], [sflag:$0x3] =	stream.linear.gather [hbm4b:s21+s16], $0x80, $0x38;
	[tilespmem:$0x1C680] =	vst v63  }
0x8e: {  	_ =	swait.ge [sflag:s10], $0x4000  }
0x8f: {  	[sflag:s10] =	ssyncset.done $0x0  }
0x90: {  	[sflag:s10] =	ssyncadd.s32 $0xFFFFC000  }
0x91: {  	_ =	swait.ge [sflag:s11], $0x80  }
0x92: {  	[sflag:s11] =	ssyncset.done $0x0  }
0x93: {  	[sflag:s11] =	ssyncadd.s32 $0xFFFFFF80  }
0x94: {  	[spmem:s1] =	stream.indirect.scatter.add.f32 [tilespmem:s30], [sflag:$0x6], $0x80, s31, s7, $0xb8;
	[tilespmem:$0x1C680] =	vst v63  }
0x95: {  	_ = 	snop  }
0x96: {  	[spmem:s15] =	stream.indirect.scatter.add.f32 [tilespmem:s3], [sflag:$0x8], $0x1, s31, s7, $0xb8;
	[tilespmem:$0x1C680] =	vst v63  }
0x97: {  	_ =	swait.ge [sflag:s12], $0x4000  }
0x98: {  	[sflag:s12] =	ssyncset.done $0x0  }
0x99: {  	[sflag:s12] =	ssyncadd.s32 $0xFFFFC000  }
.Ltmp0:
0x9a: {  	_ =	swait.ge [sflag:s17], $0x80;
	(pc) =	sbr.rel @p1 .LBB2_2-.Ltmp0, $4  }
0x9b: {  	[sflag:s17] =	ssyncset.done $0x0  }
0x9c: {  	s20 =	sadd.s32 $0x30000, s20;
	[sflag:s17] =	ssyncadd.s32 $0xFFFFFF80  }
0x9d: {  	[tilespmem:s30], [sflag:$0x2] =	stream.linear.gather [hbm4b:s20+s16], $0x4000, $0x38;
	[tilespmem:$0x1C680] =	vst v63  }
0x9e: {  	s26 =	sadd.s32 $0x400, s26  }
0x9f: {  	[tilespmem:s31], [sflag:$0x4] =	stream.linear.gather [hbm4b:s29+s16], $0x80, $0x38;
	[tilespmem:$0x1C680] =	vst v63  }
0xa0: {  	_ =	swait.ge [sflag:s5], $0x4000  }
0xa1: {  	[sflag:s5] =	ssyncset.done $0x0  }
0xa2: {  	[sflag:s5] =	ssyncadd.s32 $0xFFFFC000  }
0xa3: {  	_ =	swait.ge [sflag:s6], $0x80  }
0xa4: {  	[sflag:s6] =	ssyncset.done $0x0  }
0xa5: {  	[sflag:s6] =	ssyncadd.s32 $0xFFFFFF80  }
0xa6: {  	[spmem:s1] =	stream.indirect.scatter.add.f32 [tilespmem:s13], [sflag:$0x5], $0x80, s4, s7, $0xb8;
	[tilespmem:$0x1C680] =	vst v63  }
0xa7: {  	_ = 	snop  }
0xa8: {  	[spmem:s15] =	stream.indirect.scatter.add.f32 [tilespmem:s3], [sflag:$0x7], $0x1, s4, s7, $0xb8;
	[tilespmem:$0x1C680] =	vst v63  }
0xa9: {  	_ =	swait.ge [sflag:s8], $0x4000  }
0xaa: {  	[sflag:s8] =	ssyncset.done $0x0  }
0xab: {  	[sflag:s8] =	ssyncadd.s32 $0xFFFFC000  }
0xac: {  	_ =	swait.ge [sflag:s9], $0x80  }
0xad: {  	s19 =	simm.s32 @!p0 $0x0;
	[sflag:s9] =	ssyncset.done $0x0  }
0xae: {  	s20 =	simm.s32 @!p0 $0x14280;
	s21 =	rddreg [dreg:$0xf];
	[sflag:s9] =	ssyncadd.s32 $0xFFFFFF80  }
0xaf: {  	[tilespmem:s20], [sflag:$0x1] =	stream.linear.gather @!p0 [hbm4b:s21+s19], $0x4000, $0x38;
	[tilespmem:$0x1C680] =	vst v63  }
0xb0: {  	s26 =	rddreg [dreg:$0x10];
	s21 =	simm.s32 @!p0 $0x1C280  }
0xb1: {  	[tilespmem:s21], [sflag:$0x3] =	stream.linear.gather @!p0 [hbm4b:s26+s19], $0x80, $0x38;
	[tilespmem:$0x1C680] =	vst v63  }
0xb2: {  	_ =	swait.ge [sflag:s10], $0x4000  }
0xb3: {  	[sflag:s10] =	ssyncset.done $0x0  }
0xb4: {  	[sflag:s10] =	ssyncadd.s32 $0xFFFFC000  }
0xb5: {  	_ =	swait.ge [sflag:s11], $0x80  }
0xb6: {  	[sflag:s11] =	ssyncset.done $0x0  }
0xb7: {  	[sflag:s11] =	ssyncadd.s32 $0xFFFFFF80  }
0xb8: {  	[spmem:s1] =	stream.indirect.scatter.add.f32 [tilespmem:s30], [sflag:$0x6], $0x80, s31, s7, $0xb8;
	[tilespmem:$0x1C680] =	vst v63  }
0xb9: {  	_ = 	snop  }
0xba: {  	[spmem:s15] =	stream.indirect.scatter.add.f32 [tilespmem:s3], [sflag:$0x8], $0x1, s31, s7, $0xb8;
	[tilespmem:$0x1C680] =	vst v63  }
0xbb: {  	_ =	swait.ge [sflag:s12], $0x4000  }
0xbc: {  	[sflag:s12] =	ssyncset.done $0x0  }
0xbd: {  	[sflag:s12] =	ssyncadd.s32 $0xFFFFC000  }
0xbe: {  	_ =	swait.ge [sflag:s17], $0x80  }
0xbf: {  	[sflag:s17] =	ssyncset.done $0x0  }
0xc0: {  	s19 =	simm.s32 @!p0 $0x1;
	[sflag:s17] =	ssyncadd.s32 $0xFFFFFF80  }
0xc1: {  	_ =	swait.ge @!p0 [sflag:s19], $0x4000  }
0xc2: {  	[sflag:s19] =	ssyncset.done @!p0 $0x0  }
0xc3: {  	[sflag:s19] =	ssyncadd.s32 @!p0 $0xFFFFC000;
	s19 =	simm.s32 @!p0 $0x3  }
0xc4: {  	_ =	swait.ge @!p0 [sflag:s19], $0x80  }
0xc5: {  	[sflag:s19] =	ssyncset.done @!p0 $0x0  }
0xc6: {  	[sflag:s19] =	ssyncadd.s32 @!p0 $0xFFFFFF80;
	s19 =	simm.s32 @!p0 $0x80  }
0xc7: {  	[spmem:s1] =	stream.indirect.scatter.add.f32 @!p0 [tilespmem:s20], [sflag:$0x5], $0x80, s21, s19, $0xb8;
	[tilespmem:$0x1C680] =	vst v63  }
0xc8: {  	s20 =	simm.s32 @!p0 $0x1C380  }
0xc9: {  	[spmem:s15] =	stream.indirect.scatter.add.f32 @!p0 [tilespmem:s20], [sflag:$0x7], $0x1, s21, s19, $0xb8;
	[tilespmem:$0x1C680] =	vst v63  }
0xca: {  	s19 =	simm.s32 @!p0 $0x5  }
0xcb: {  	_ =	swait.ge @!p0 [sflag:s19], $0x4000  }
0xcc: {  	[sflag:s19] =	ssyncset.done @!p0 $0x0  }
0xcd: {  	[sflag:s19] =	ssyncadd.s32 @!p0 $0xFFFFC000;
	s19 =	simm.s32 @!p0 $0x7  }
0xce: {  	_ =	swait.ge @!p0 [sflag:s19], $0x80  }
0xcf: {  	[sflag:s19] =	ssyncset.done @!p0 $0x0  }
0xd0: {  	[sflag:s19] =	ssyncadd.s32 @!p0 $0xFFFFFF80  }
0xd1: {  	[bflag:$0x0] =	sbarrier.arrive $0xFFFF  }
0xd2: {  	[tilespmem:s13], [sflag:$0x9] =	stream.linear.gather [spmem:s22], $0x4000, $0x38;
	[tilespmem:$0x1C680] =	vst v63  }
0xd3: {  	_ =	swait.ge [sflag:s0], $0x4000  }
0xd4: {  	[sflag:s0] =	ssyncset.done $0x0  }
0xd5: {  	s26 =	rddreg [dreg:$0xa];
	[sflag:s0] =	ssyncadd.s32 $0xFFFFC000  }
0xd6: {  	[hbm4b:s26+s16] =	stream.linear.scatter [tilespmem:s13], [sflag:$0x1], $0x4000, $0x38;
	[tilespmem:$0x1C680] =	vst v63  }
0xd7: {  	_ = 	snop  }
0xd8: {  	[tilespmem:s30], [sflag:$0x9] =	stream.linear.gather [spmem:s23], $0x4000, $0x38;
	[tilespmem:$0x1C680] =	vst v63  }
0xd9: {  	_ =	swait.ge [sflag:s0], $0x4000  }
0xda: {  	[sflag:s0] =	ssyncset.done $0x0  }
0xdb: {  	s2 =	rddreg [dreg:$0xb];
	[sflag:s0] =	ssyncadd.s32 $0xFFFFC000  }
0xdc: {  	[hbm4b:s2+s16] =	stream.linear.scatter [tilespmem:s30], [sflag:$0x2], $0x4000, $0x38;
	[tilespmem:$0x1C680] =	vst v63  }
0xdd: {  	_ =	swait.ge [sflag:s5], $0x4000  }
0xde: {  	[sflag:s5] =	ssyncset.done $0x0  }
0xdf: {  	[sflag:s5] =	ssyncadd.s32 $0xFFFFC000  }
0xe0: {  	[tilespmem:s13], [sflag:$0x9] =	stream.linear.gather [spmem:s24], $0x4000, $0x38;
	[tilespmem:$0x1C680] =	vst v63  }
0xe1: {  	_ =	swait.ge [sflag:s0], $0x4000  }
0xe2: {  	[sflag:s0] =	ssyncset.done $0x0  }
0xe3: {  	s20 =	smov.u32 s22;
	s22 =	rddreg [dreg:$0xc];
	[sflag:s0] =	ssyncadd.s32 $0xFFFFC000  }
0xe4: {  	[hbm4b:s22+s16] =	stream.linear.scatter [tilespmem:s13], [sflag:$0x1], $0x4000, $0x38;
	[tilespmem:$0x1C680] =	vst v63  }
0xe5: {  	_ =	swait.ge [sflag:s10], $0x4000  }
0xe6: {  	[sflag:s10] =	ssyncset.done $0x0  }
0xe7: {  	[sflag:s10] =	ssyncadd.s32 $0xFFFFC000  }
0xe8: {  	[tilespmem:s30], [sflag:$0x9] =	stream.linear.gather [spmem:s25], $0x4000, $0x38;
	[tilespmem:$0x1C680] =	vst v63  }
0xe9: {  	_ =	swait.ge [sflag:s0], $0x4000  }
0xea: {  	[sflag:s0] =	ssyncset.done $0x0  }
0xeb: {  	s21 =	smov.u32 s23;
	s23 =	rddreg [dreg:$0xd];
	[sflag:s0] =	ssyncadd.s32 $0xFFFFC000  }
0xec: {  	[hbm4b:s23+s16] =	stream.linear.scatter [tilespmem:s30], [sflag:$0x2], $0x4000, $0x38;
	[tilespmem:$0x1C680] =	vst v63  }
0xed: {  	_ =	swait.ge [sflag:s5], $0x4000  }
0xee: {  	[sflag:s5] =	ssyncset.done $0x0  }
0xef: {  	s22 =	rddreg [dreg:$0x15];
	[sflag:s5] =	ssyncadd.s32 $0xFFFFC000  }
0xf0: {  	[tilespmem:s13], [sflag:$0x9] =	stream.linear.gather [spmem:s22], $0x4000, $0x38;
	[tilespmem:$0x1C680] =	vst v63  }
0xf1: {  	_ =	swait.ge [sflag:s0], $0x4000  }
0xf2: {  	[sflag:s0] =	ssyncset.done $0x0  }
0xf3: {  	s26 =	smov.u32 s24;
	s24 =	rddreg [dreg:$0xe];
	[sflag:s0] =	ssyncadd.s32 $0xFFFFC000  }
0xf4: {  	[hbm4b:s24+s16] =	stream.linear.scatter [tilespmem:s13], [sflag:$0x1], $0x4000, $0x38;
	[tilespmem:$0x1C680] =	vst v63  }
0xf5: {  	s23 =	simm.s32 $0x1C400;
	s19 =	rddreg [dreg:$0x14]  }
0xf6: {  	[tilespmem:s23], [sflag:$0x9] =	stream.linear.gather [spmem:s19], $0x280, $0x38;
	[tilespmem:$0x1C680] =	vst v63  }
0xf7: {  	_ =	swait.ge [sflag:s0], $0x280  }
0xf8: {  	s29 =	smov.u32 s25;
	[sflag:s0] =	ssyncset.done $0x0  }
0xf9: {  	s25 =	simm.s32 $0x100;
	s2 =	rddreg [dreg:$0x16];
	[sflag:s0] =	ssyncadd.s32 $0xFFFFFD80  }
0xfa: {  	[hbm4b:s2+s7] =	stream.strided.scatter [tilespmem:s23], [sflag:$0x9], $0x280, s25, s7, $0x38;
	[tilespmem:$0x1C680] =	vst v63  }
0xfb: {  	_ =	swait.ge [sflag:s0], $0x280  }
0xfc: {  	[sflag:s0] =	ssyncset.done $0x0  }
0xfd: {  	[sflag:s0] =	ssyncadd.s32 $0xFFFFFD80  }
0xfe: {  	_ =	swait.ge [sflag:s10], $0x4000  }
0xff: {  	[sflag:s10] =	ssyncset.done $0x0  }
0x100: {  	[sflag:s10] =	ssyncadd.s32 $0xFFFFC000  }
0x101: {  	_ =	swait.ge [sflag:s5], $0x4000  }
0x102: {  	s18 =	sadd.s32 $0x1, s18;
	s25 =	rddreg [dreg:$0x17]  }
0x103: {  	p1 =	sne.s32 s18, s25  }
.Ltmp1:
0x104: {  	_ = 	snop;
	(pc) =	sbr.rel @p1 .LBB2_1-.Ltmp1, $3  }
0x105: {  	_ =	sdelay $0x1  }
0x106: {  	[sflag:s5] =	ssyncset.done $0x0  }
0x107: {  	[sflag:s5] =	ssyncadd.s32 $0xFFFFC000  }
0x108: {  	_ =	sfence.sel $0x180000  }
0x109: {  	[bflag:$0x0] =	sbarrier.arrive $0xFFFF  }
0x10a: {  	_ =	strace $0x90000047  }
0x10b: {  	s0 =	stileid.u32;
	[bflag:$0x2] =	sbarrier.arrive $0xFFFF  }
0x10c: {  	p0 =	sne.s32 s0, $0x0;
	s0 =	rddreg [dreg:$0x5]  }
0x10d: {  	s0 =	sadd.s32 @!p0 $0x100000, s0  }
0x10e: {  	[sflag:s0] =	ssyncadd.tile.s32 @!p0 $0x1;
	_ =	shalt  }
.Lfunc_end2:
_tile_overlayer_lowered:
.L_overlay_start_2:
0x10f: {  	(tag) =	ssettag $0x2  }
0x110: {  	s0 =	rddreg [dreg:$0x0];
	s2 =	stileid.u32  }
0x111: {  	s1 =	rddreg [dreg:$0x1];
	p0 =	sne.s32 s2, $0x0  }
0x112: {  	s3 =	rddreg [dreg:$0x2];
	[bflag:$0x3] =	sbarrier.arrive $0xFFFF;
	s2 =	simm.s32 @!p0 $0x1C09  }
0x113: {  	[timem:s3], [sflag:s2] =	dma.local @!p0 [hbm:s0], s1  }
0x114: {  	s0 =	simm.s32 @!p0 $0x9  }
0x115: {  	_ =	swait.ge @!p0 [sflag:s0], s1  }
0x116: {  	s1 =	ssub.s32 @!p0 $0x0, s1;
	[sflag:s0] =	ssyncset.done @!p0 $0x0  }
0x117: {  	[sflag:s0] =	ssyncadd.s32 @!p0 s1  }
0x118: {  	[bflag:$0x3] =	sbarrier.arrive $0xFFFF  }
0x119: {  	_ =	shalt  }

</sc_bundles>
